<compile_context>
chip_gen: v7x
topology: tpu7x:2x2x1
jax: 0.10.2.dev20260603
libtpu: 0.0.44.dev20260713+nightly
codegen_flags: <defaults>
</compile_context>

<pallas_src>
import functools

import jax
import jax.numpy as jnp
from jax import lax
from jax.experimental import pallas as pl
from jax.experimental.pallas import tpu as pltpu
from jax.experimental.pallas import tpu_sc as plsc

B, L = 4096, 200
V, E, H, O = 1000000, 32, 64, 5

NC, NS = 2, 16
NW = NC * NS
ROWS_W = B // NW
IDX_W = ROWS_W * L
GRP = 128
NG = IDX_W // GRP
NBUF = 8
OP = 128


def _sc_pool(emb, x2d, ids3d, zrows):
    mesh = plsc.VectorSubcoreMesh(core_axis_name="c", subcore_axis_name="s")

    @functools.partial(
        pl.kernel,
        out_type=jax.ShapeDtypeStruct((B, E), jnp.float32),
        mesh=mesh,
        compiler_params=pltpu.CompilerParams(use_tc_tiling_on_sc=False),
        scratch_types=[
            pltpu.VMEM_SHARED((B, E), jnp.float32),
            pltpu.VMEM((NG, GRP), jnp.int32),
            pltpu.VMEM((NG, GRP), jnp.int32),
            [pltpu.VMEM((GRP, E), jnp.float32) for _ in range(NBUF)],
            [pltpu.SemaphoreType.DMA for _ in range(NBUF)],
            [pltpu.SemaphoreType.DMA for _ in range(NBUF)],
        ],
    )
    def pool(emb_hbm, x_hbm, ids_hbm, z_hbm, pooled_hbm,
             acc_sh, idx_v, ids_v, bufs, gsems, ssems):
        c = lax.axis_index("c")
        s = lax.axis_index("s")
        wid = c * NS + s
        row_base = wid * ROWS_W

        pltpu.sync_copy(x_hbm.at[pl.ds(wid * NG, NG)], idx_v)
        pltpu.sync_copy(ids_hbm.at[wid], ids_v)

        pltpu.sync_copy(z_hbm, bufs[0])
        pltpu.sync_copy(bufs[0], acc_sh.at[pl.ds(row_base, ROWS_W)])

        for j in range(NBUF):
            pltpu.async_copy(emb_hbm.at[idx_v.at[j]], bufs[j], gsems[j])

        def round_body(r, carry):
            for j in range(NBUF):
                g = r * NBUF + j
                pltpu.make_async_copy(
                    emb_hbm.at[idx_v.at[g]], bufs[j], gsems[j]).wait()
                pltpu.async_copy(bufs[j], acc_sh.at[ids_v.at[g]], ssems[j],
                                 add=True)
            for j in range(NBUF):
                g = r * NBUF + j
                pltpu.make_async_copy(
                    bufs[j], acc_sh.at[ids_v.at[g]], ssems[j]).wait()

                @pl.when(g + NBUF < NG)
                def _():
                    pltpu.async_copy(emb_hbm.at[idx_v.at[g + NBUF]], bufs[j],
                                     gsems[j])
            return carry

        lax.fori_loop(0, NG // NBUF, round_body, 0)

        pltpu.sync_copy(acc_sh.at[pl.ds(row_base, ROWS_W)],
                        pooled_hbm.at[pl.ds(row_base, ROWS_W)])

    return pool(emb, x2d, ids3d, zrows)


def _mlp_body(x_ref, w1_ref, b1_ref, w2_ref, b2_ref, o_ref):
    h = jnp.dot(x_ref[...], w1_ref[...],
                preferred_element_type=jnp.float32) + b1_ref[...]
    h = jnp.maximum(h, 0.0)
    o_ref[...] = jnp.dot(h, w2_ref[...],
                         preferred_element_type=jnp.float32) + b2_ref[...]


def _mlp(pooled_sum, W1, b1, W2, b2):
    w1t = (W1 * (1.0 / L)).T
    w2p = jnp.zeros((H, OP), jnp.float32).at[:, :O].set(W2.T)
    b2p = jnp.zeros((1, OP), jnp.float32).at[:, :O].set(b2[None, :])
    out = pl.pallas_call(
        _mlp_body,
        out_shape=jax.ShapeDtypeStruct((B, OP), jnp.float32),
    )(pooled_sum, w1t, b1[None, :], w2p, b2p)
    return out[:, :O]


def kernel(x, emb, W1, b1, W2, b2):
    x2d = x.astype(jnp.int32).reshape(B * L // GRP, GRP)
    ids3d = jnp.repeat(jnp.arange(B, dtype=jnp.int32), L).reshape(NW, NG, GRP)
    zrows = jnp.zeros((GRP, E), jnp.float32)
    pooled_sum = _sc_pool(emb, x2d, ids3d, zrows)
    return _mlp(pooled_sum, W1, b1, W2, b2)

# --- scband reference (transcript-rebuilt; emitter-appended) ---
"""Pipeline reference for scband-synexs-core-model-33595234189488 (READ-ONLY COPY).

The authoritative reference and input builder live on the scoring server;
editing this copy changes nothing except your own understanding.
"""

import jax, jax.numpy as jnp
import numpy as np

B, L = 4096, 200
V, E, H, O = 1000000, 32, 64, 5

def setup_inputs(seed: int = 0) -> dict:
    key = jax.random.key(seed)
    k1, k2, k3, k4, k5 = jax.random.split(key, 5)
    x = jax.random.randint(k1, (B, L), 0, V, dtype=jnp.int64 if jax.config.jax_enable_x64 else jnp.int32)
    emb = jax.random.normal(k2, (V, E), dtype=jnp.float32) * 0.05
    W1 = jax.random.normal(k3, (H, E), dtype=jnp.float32) * 0.05
    b1 = jnp.zeros((H,), dtype=jnp.float32)
    W2 = jax.random.normal(k4, (O, H), dtype=jnp.float32) * 0.05
    b2 = jnp.zeros((O,), dtype=jnp.float32)
    return {"x": x, "emb": emb, "W1": W1, "b1": b1, "W2": W2, "b2": b2}

def reference(x, emb, W1, b1, W2, b2):
    # nn.Embedding lookup: gather rows of the table
    embedded = jnp.take(emb, x, axis=0)            # [B, L, E]
    embedded_mean = embedded.mean(axis=1)           # [B, E]
    h = embedded_mean @ W1.T + b1                   # fc1
    h = jnp.maximum(h, 0.0)                         # ReLU
    out = h @ W2.T + b2                             # fc2
    return out                                      # [B, O]

if __name__ == "__main__":
    import jax
    _d = setup_inputs()
    print(jax.jit(kernel)(*tuple(_d.values())))

</pallas_src>

<mosaic_0001>
#map = affine_map<(d0, d1) -> (0, 0)>
#map1 = affine_map<(d0, d1) -> (0, 0, 0)>
module attributes {stable_mosaic.version = 14 : i64} {
  func.func @pool(%arg0: i32, %arg1: i32, %arg2: memref<1000000x32xf32, #tpu.memory_space<hbm>>, %arg3: memref<6400x128xi32, #tpu.memory_space<hbm>>, %arg4: memref<32x200x128xi32, #tpu.memory_space<hbm>>, %arg5: memref<128x32xf32, #tpu.memory_space<hbm>>, %arg6: memref<4096x32xf32, #tpu.memory_space<hbm>>, %arg7: memref<4096x32xf32, #tpu.memory_space<vmem_shared>>, %arg8: memref<200x128xi32, #tpu.memory_space<vmem>>, %arg9: memref<200x128xi32, #tpu.memory_space<vmem>>, %arg10: memref<128x32xf32, #tpu.memory_space<vmem>>, %arg11: memref<128x32xf32, #tpu.memory_space<vmem>>, %arg12: memref<128x32xf32, #tpu.memory_space<vmem>>, %arg13: memref<128x32xf32, #tpu.memory_space<vmem>>, %arg14: memref<128x32xf32, #tpu.memory_space<vmem>>, %arg15: memref<128x32xf32, #tpu.memory_space<vmem>>, %arg16: memref<128x32xf32, #tpu.memory_space<vmem>>, %arg17: memref<128x32xf32, #tpu.memory_space<vmem>>, %arg18: memref<!tpu.dma_semaphore, #tpu.memory_space<semaphore_mem>>, %arg19: memref<!tpu.dma_semaphore, #tpu.memory_space<semaphore_mem>>, %arg20: memref<!tpu.dma_semaphore, #tpu.memory_space<semaphore_mem>>, %arg21: memref<!tpu.dma_semaphore, #tpu.memory_space<semaphore_mem>>, %arg22: memref<!tpu.dma_semaphore, #tpu.memory_space<semaphore_mem>>, %arg23: memref<!tpu.dma_semaphore, #tpu.memory_space<semaphore_mem>>, %arg24: memref<!tpu.dma_semaphore, #tpu.memory_space<semaphore_mem>>, %arg25: memref<!tpu.dma_semaphore, #tpu.memory_space<semaphore_mem>>, %arg26: memref<!tpu.dma_semaphore, #tpu.memory_space<semaphore_mem>>, %arg27: memref<!tpu.dma_semaphore, #tpu.memory_space<semaphore_mem>>, %arg28: memref<!tpu.dma_semaphore, #tpu.memory_space<semaphore_mem>>, %arg29: memref<!tpu.dma_semaphore, #tpu.memory_space<semaphore_mem>>, %arg30: memref<!tpu.dma_semaphore, #tpu.memory_space<semaphore_mem>>, %arg31: memref<!tpu.dma_semaphore, #tpu.memory_space<semaphore_mem>>, %arg32: memref<!tpu.dma_semaphore, #tpu.memory_space<semaphore_mem>>, %arg33: memref<!tpu.dma_semaphore, #tpu.memory_space<semaphore_mem>>) attributes {dimension_semantics = [#tpu.dimension_semantics<core_parallel>, #tpu.dimension_semantics<subcore_parallel>], iteration_bounds = array<i64: 2, 16>, scalar_prefetch = 0 : i64, scratch_operands = 27 : i64, tpu.core_type = #tpu.core_type<sc_vector_subcore>, window_params = [{transform_indices = #map}, {transform_indices = #map}, {transform_indices = #map1}, {transform_indices = #map}, {transform_indices = #map}]} {
    %mul3A = arith.constant 16 : i32
    %mul3A_0 = arith.muli %arg0, %mul3A : i32
    %add3A = arith.addi %mul3A_0, %arg1 : i32
    %mul3A_1 = arith.constant 128 : i32
    %mul3A_2 = arith.muli %add3A, %mul3A_1 : i32
    %mul3A_3 = arith.constant 200 : i32
    %mul3A_4 = arith.muli %add3A, %mul3A_3 : i32
    "tpu.region"() ({
      %run_scoped3A = tpu.sem_alloc : memref<!tpu.dma_semaphore, #tpu.memory_space<semaphore_mem>>
      %dma_start3A_65 = arith.constant 0 : i32
      %dma_start3A_66 = tpu.memref_slice %arg3[%mul3A_4, %dma_start3A_65] : memref<6400x128xi32, #tpu.memory_space<hbm>> -> memref<200x128xi32, #tpu.memory_space<hbm>>
      %dma_start3A_67 = arith.constant 0 : i32
      %dma_start3A_68 = tpu.memref_slice %arg3[%mul3A_4, %dma_start3A_67] : memref<6400x128xi32, #tpu.memory_space<hbm>> -> memref<200x128xi32, #tpu.memory_space<hbm>>
      tpu.enqueue_dma source(%dma_start3A_68 : memref<200x128xi32, #tpu.memory_space<hbm>>) target(%arg8 : memref<200x128xi32, #tpu.memory_space<vmem>>) target_semaphore(%run_scoped3A : memref<!tpu.dma_semaphore, #tpu.memory_space<semaphore_mem>>)
      %dma_wait3A = arith.constant 0 : i32
      %dma_wait3A_69 = tpu.memref_slice %arg3[%mul3A_4, %dma_wait3A] : memref<6400x128xi32, #tpu.memory_space<hbm>> -> memref<200x128xi32, #tpu.memory_space<hbm>>
      %dma_wait3A_70 = arith.constant 0 : i32
      %dma_wait3A_71 = tpu.memref_slice %arg3[%mul3A_4, %dma_wait3A_70] : memref<6400x128xi32, #tpu.memory_space<hbm>> -> memref<200x128xi32, #tpu.memory_space<hbm>>
      tpu.wait_dma2 semaphore(%run_scoped3A : memref<!tpu.dma_semaphore, #tpu.memory_space<semaphore_mem>>) src(%dma_wait3A_71 : memref<200x128xi32, #tpu.memory_space<hbm>>) dst(%arg8 : memref<200x128xi32, #tpu.memory_space<vmem>>)
      tpu.yield
    }) : () -> ()
    "tpu.region"() ({
      %run_scoped3A = tpu.sem_alloc : memref<!tpu.dma_semaphore, #tpu.memory_space<semaphore_mem>>
      %dma_start3A_65 = arith.constant 0 : i32
      %dma_start3A_66 = arith.constant 0 : i32
      %dma_start3A_67 = tpu.memref_slice %arg4[%add3A, %dma_start3A_65, %dma_start3A_66] : memref<32x200x128xi32, #tpu.memory_space<hbm>> -> memref<1x200x128xi32, #tpu.memory_space<hbm>>
      %dma_start3A_68 = tpu.memref_squeeze %dma_start3A_67 : memref<1x200x128xi32, #tpu.memory_space<hbm>> -> memref<200x128xi32, #tpu.memory_space<hbm>>
      %dma_start3A_69 = arith.constant 0 : i32
      %dma_start3A_70 = arith.constant 0 : i32
      %dma_start3A_71 = tpu.memref_slice %arg4[%add3A, %dma_start3A_69, %dma_start3A_70] : memref<32x200x128xi32, #tpu.memory_space<hbm>> -> memref<1x200x128xi32, #tpu.memory_space<hbm>>
      %dma_start3A_72 = tpu.memref_squeeze %dma_start3A_71 : memref<1x200x128xi32, #tpu.memory_space<hbm>> -> memref<200x128xi32, #tpu.memory_space<hbm>>
      tpu.enqueue_dma source(%dma_start3A_72 : memref<200x128xi32, #tpu.memory_space<hbm>>) target(%arg9 : memref<200x128xi32, #tpu.memory_space<vmem>>) target_semaphore(%run_scoped3A : memref<!tpu.dma_semaphore, #tpu.memory_space<semaphore_mem>>)
      %dma_wait3A = arith.constant 0 : i32
      %dma_wait3A_73 = arith.constant 0 : i32
      %dma_wait3A_74 = tpu.memref_slice %arg4[%add3A, %dma_wait3A, %dma_wait3A_73] : memref<32x200x128xi32, #tpu.memory_space<hbm>> -> memref<1x200x128xi32, #tpu.memory_space<hbm>>
      %dma_wait3A_75 = tpu.memref_squeeze %dma_wait3A_74 : memref<1x200x128xi32, #tpu.memory_space<hbm>> -> memref<200x128xi32, #tpu.memory_space<hbm>>
      %dma_wait3A_76 = arith.constant 0 : i32
      %dma_wait3A_77 = arith.constant 0 : i32
      %dma_wait3A_78 = tpu.memref_slice %arg4[%add3A, %dma_wait3A_76, %dma_wait3A_77] : memref<32x200x128xi32, #tpu.memory_space<hbm>> -> memref<1x200x128xi32, #tpu.memory_space<hbm>>
      %dma_wait3A_79 = tpu.memref_squeeze %dma_wait3A_78 : memref<1x200x128xi32, #tpu.memory_space<hbm>> -> memref<200x128xi32, #tpu.memory_space<hbm>>
      tpu.wait_dma2 semaphore(%run_scoped3A : memref<!tpu.dma_semaphore, #tpu.memory_space<semaphore_mem>>) src(%dma_wait3A_79 : memref<200x128xi32, #tpu.memory_space<hbm>>) dst(%arg9 : memref<200x128xi32, #tpu.memory_space<vmem>>)
      tpu.yield
    }) : () -> ()
    "tpu.region"() ({
      %run_scoped3A = tpu.sem_alloc : memref<!tpu.dma_semaphore, #tpu.memory_space<semaphore_mem>>
      tpu.enqueue_dma source(%arg5 : memref<128x32xf32, #tpu.memory_space<hbm>>) target(%arg10 : memref<128x32xf32, #tpu.memory_space<vmem>>) target_semaphore(%run_scoped3A : memref<!tpu.dma_semaphore, #tpu.memory_space<semaphore_mem>>)
      tpu.wait_dma2 semaphore(%run_scoped3A : memref<!tpu.dma_semaphore, #tpu.memory_space<semaphore_mem>>) src(%arg5 : memref<128x32xf32, #tpu.memory_space<hbm>>) dst(%arg10 : memref<128x32xf32, #tpu.memory_space<vmem>>)
      tpu.yield
    }) : () -> ()
    "tpu.region"() ({
      %run_scoped3A = tpu.sem_alloc : memref<!tpu.dma_semaphore, #tpu.memory_space<semaphore_mem>>
      %dma_start3A_65 = arith.constant 0 : i32
      %dma_start3A_66 = tpu.memref_slice %arg7[%mul3A_2, %dma_start3A_65] : memref<4096x32xf32, #tpu.memory_space<vmem_shared>> -> memref<128x32xf32, #tpu.memory_space<vmem_shared>>
      %dma_start3A_67 = arith.constant 0 : i32
      %dma_start3A_68 = tpu.memref_slice %arg7[%mul3A_2, %dma_start3A_67] : memref<4096x32xf32, #tpu.memory_space<vmem_shared>> -> memref<128x32xf32, #tpu.memory_space<vmem_shared>>
      tpu.enqueue_dma source(%arg10 : memref<128x32xf32, #tpu.memory_space<vmem>>) target(%dma_start3A_68 : memref<128x32xf32, #tpu.memory_space<vmem_shared>>) target_semaphore(%run_scoped3A : memref<!tpu.dma_semaphore, #tpu.memory_space<semaphore_mem>>)
      %dma_wait3A = arith.constant 0 : i32
      %dma_wait3A_69 = tpu.memref_slice %arg7[%mul3A_2, %dma_wait3A] : memref<4096x32xf32, #tpu.memory_space<vmem_shared>> -> memref<128x32xf32, #tpu.memory_space<vmem_shared>>
      %dma_wait3A_70 = arith.constant 0 : i32
      %dma_wait3A_71 = tpu.memref_slice %arg7[%mul3A_2, %dma_wait3A_70] : memref<4096x32xf32, #tpu.memory_space<vmem_shared>> -> memref<128x32xf32, #tpu.memory_space<vmem_shared>>
      tpu.wait_dma2 semaphore(%run_scoped3A : memref<!tpu.dma_semaphore, #tpu.memory_space<semaphore_mem>>) src(%arg10 : memref<128x32xf32, #tpu.memory_space<vmem>>) dst(%dma_wait3A_71 : memref<128x32xf32, #tpu.memory_space<vmem_shared>>)
      tpu.yield
    }) : () -> ()
    %dma_start3A = arith.constant 0 : i32
    %dma_start3A_5 = arith.constant 0 : i32
    %dma_start3A_6 = tpu.memref_slice %arg8[%dma_start3A, %dma_start3A_5] : memref<200x128xi32, #tpu.memory_space<vmem>> -> memref<1x128xi32, #tpu.memory_space<vmem>>
    %dma_start3A_7 = tpu.memref_squeeze %dma_start3A_6 : memref<1x128xi32, #tpu.memory_space<vmem>> -> memref<128xi32, #tpu.memory_space<vmem>>
    %dma_start3A_8 = arith.constant 0 : i32
    %dma_start3A_9 = arith.constant 0 : i32
    %dma_start3A_10 = tpu.memref_slice %arg2[%dma_start3A_8, %dma_start3A_9] : memref<1000000x32xf32, #tpu.memory_space<hbm>> -> memref<1000000x32xf32, #tpu.memory_space<hbm>>
    tpu.enqueue_indirect_dma source(%dma_start3A_10 : memref<1000000x32xf32, #tpu.memory_space<hbm>>) target(%arg10 : memref<128x32xf32, #tpu.memory_space<vmem>>) offsets(%dma_start3A_7 : memref<128xi32, #tpu.memory_space<vmem>>) semaphore(%arg18 : memref<!tpu.dma_semaphore, #tpu.memory_space<semaphore_mem>>)
    %dma_start3A_11 = arith.constant 1 : i32
    %dma_start3A_12 = arith.constant 0 : i32
    %dma_start3A_13 = tpu.memref_slice %arg8[%dma_start3A_11, %dma_start3A_12] : memref<200x128xi32, #tpu.memory_space<vmem>> -> memref<1x128xi32, #tpu.memory_space<vmem>>
    %dma_start3A_14 = tpu.memref_squeeze %dma_start3A_13 : memref<1x128xi32, #tpu.memory_space<vmem>> -> memref<128xi32, #tpu.memory_space<vmem>>
    %dma_start3A_15 = arith.constant 0 : i32
    %dma_start3A_16 = arith.constant 0 : i32
    %dma_start3A_17 = tpu.memref_slice %arg2[%dma_start3A_15, %dma_start3A_16] : memref<1000000x32xf32, #tpu.memory_space<hbm>> -> memref<1000000x32xf32, #tpu.memory_space<hbm>>
    tpu.enqueue_indirect_dma source(%dma_start3A_17 : memref<1000000x32xf32, #tpu.memory_space<hbm>>) target(%arg11 : memref<128x32xf32, #tpu.memory_space<vmem>>) offsets(%dma_start3A_14 : memref<128xi32, #tpu.memory_space<vmem>>) semaphore(%arg19 : memref<!tpu.dma_semaphore, #tpu.memory_space<semaphore_mem>>)
    %dma_start3A_18 = arith.constant 2 : i32
    %dma_start3A_19 = arith.constant 0 : i32
    %dma_start3A_20 = tpu.memref_slice %arg8[%dma_start3A_18, %dma_start3A_19] : memref<200x128xi32, #tpu.memory_space<vmem>> -> memref<1x128xi32, #tpu.memory_space<vmem>>
    %dma_start3A_21 = tpu.memref_squeeze %dma_start3A_20 : memref<1x128xi32, #tpu.memory_space<vmem>> -> memref<128xi32, #tpu.memory_space<vmem>>
    %dma_start3A_22 = arith.constant 0 : i32
    %dma_start3A_23 = arith.constant 0 : i32
    %dma_start3A_24 = tpu.memref_slice %arg2[%dma_start3A_22, %dma_start3A_23] : memref<1000000x32xf32, #tpu.memory_space<hbm>> -> memref<1000000x32xf32, #tpu.memory_space<hbm>>
    tpu.enqueue_indirect_dma source(%dma_start3A_24 : memref<1000000x32xf32, #tpu.memory_space<hbm>>) target(%arg12 : memref<128x32xf32, #tpu.memory_space<vmem>>) offsets(%dma_start3A_21 : memref<128xi32, #tpu.memory_space<vmem>>) semaphore(%arg20 : memref<!tpu.dma_semaphore, #tpu.memory_space<semaphore_mem>>)
    %dma_start3A_25 = arith.constant 3 : i32
    %dma_start3A_26 = arith.constant 0 : i32
    %dma_start3A_27 = tpu.memref_slice %arg8[%dma_start3A_25, %dma_start3A_26] : memref<200x128xi32, #tpu.memory_space<vmem>> -> memref<1x128xi32, #tpu.memory_space<vmem>>
    %dma_start3A_28 = tpu.memref_squeeze %dma_start3A_27 : memref<1x128xi32, #tpu.memory_space<vmem>> -> memref<128xi32, #tpu.memory_space<vmem>>
    %dma_start3A_29 = arith.constant 0 : i32
    %dma_start3A_30 = arith.constant 0 : i32
    %dma_start3A_31 = tpu.memref_slice %arg2[%dma_start3A_29, %dma_start3A_30] : memref<1000000x32xf32, #tpu.memory_space<hbm>> -> memref<1000000x32xf32, #tpu.memory_space<hbm>>
    tpu.enqueue_indirect_dma source(%dma_start3A_31 : memref<1000000x32xf32, #tpu.memory_space<hbm>>) target(%arg13 : memref<128x32xf32, #tpu.memory_space<vmem>>) offsets(%dma_start3A_28 : memref<128xi32, #tpu.memory_space<vmem>>) semaphore(%arg21 : memref<!tpu.dma_semaphore, #tpu.memory_space<semaphore_mem>>)
    %dma_start3A_32 = arith.constant 4 : i32
    %dma_start3A_33 = arith.constant 0 : i32
    %dma_start3A_34 = tpu.memref_slice %arg8[%dma_start3A_32, %dma_start3A_33] : memref<200x128xi32, #tpu.memory_space<vmem>> -> memref<1x128xi32, #tpu.memory_space<vmem>>
    %dma_start3A_35 = tpu.memref_squeeze %dma_start3A_34 : memref<1x128xi32, #tpu.memory_space<vmem>> -> memref<128xi32, #tpu.memory_space<vmem>>
    %dma_start3A_36 = arith.constant 0 : i32
    %dma_start3A_37 = arith.constant 0 : i32
    %dma_start3A_38 = tpu.memref_slice %arg2[%dma_start3A_36, %dma_start3A_37] : memref<1000000x32xf32, #tpu.memory_space<hbm>> -> memref<1000000x32xf32, #tpu.memory_space<hbm>>
    tpu.enqueue_indirect_dma source(%dma_start3A_38 : memref<1000000x32xf32, #tpu.memory_space<hbm>>) target(%arg14 : memref<128x32xf32, #tpu.memory_space<vmem>>) offsets(%dma_start3A_35 : memref<128xi32, #tpu.memory_space<vmem>>) semaphore(%arg22 : memref<!tpu.dma_semaphore, #tpu.memory_space<semaphore_mem>>)
    %dma_start3A_39 = arith.constant 5 : i32
    %dma_start3A_40 = arith.constant 0 : i32
    %dma_start3A_41 = tpu.memref_slice %arg8[%dma_start3A_39, %dma_start3A_40] : memref<200x128xi32, #tpu.memory_space<vmem>> -> memref<1x128xi32, #tpu.memory_space<vmem>>
    %dma_start3A_42 = tpu.memref_squeeze %dma_start3A_41 : memref<1x128xi32, #tpu.memory_space<vmem>> -> memref<128xi32, #tpu.memory_space<vmem>>
    %dma_start3A_43 = arith.constant 0 : i32
    %dma_start3A_44 = arith.constant 0 : i32
    %dma_start3A_45 = tpu.memref_slice %arg2[%dma_start3A_43, %dma_start3A_44] : memref<1000000x32xf32, #tpu.memory_space<hbm>> -> memref<1000000x32xf32, #tpu.memory_space<hbm>>
    tpu.enqueue_indirect_dma source(%dma_start3A_45 : memref<1000000x32xf32, #tpu.memory_space<hbm>>) target(%arg15 : memref<128x32xf32, #tpu.memory_space<vmem>>) offsets(%dma_start3A_42 : memref<128xi32, #tpu.memory_space<vmem>>) semaphore(%arg23 : memref<!tpu.dma_semaphore, #tpu.memory_space<semaphore_mem>>)
    %dma_start3A_46 = arith.constant 6 : i32
    %dma_start3A_47 = arith.constant 0 : i32
    %dma_start3A_48 = tpu.memref_slice %arg8[%dma_start3A_46, %dma_start3A_47] : memref<200x128xi32, #tpu.memory_space<vmem>> -> memref<1x128xi32, #tpu.memory_space<vmem>>
    %dma_start3A_49 = tpu.memref_squeeze %dma_start3A_48 : memref<1x128xi32, #tpu.memory_space<vmem>> -> memref<128xi32, #tpu.memory_space<vmem>>
    %dma_start3A_50 = arith.constant 0 : i32
    %dma_start3A_51 = arith.constant 0 : i32
    %dma_start3A_52 = tpu.memref_slice %arg2[%dma_start3A_50, %dma_start3A_51] : memref<1000000x32xf32, #tpu.memory_space<hbm>> -> memref<1000000x32xf32, #tpu.memory_space<hbm>>
    tpu.enqueue_indirect_dma source(%dma_start3A_52 : memref<1000000x32xf32, #tpu.memory_space<hbm>>) target(%arg16 : memref<128x32xf32, #tpu.memory_space<vmem>>) offsets(%dma_start3A_49 : memref<128xi32, #tpu.memory_space<vmem>>) semaphore(%arg24 : memref<!tpu.dma_semaphore, #tpu.memory_space<semaphore_mem>>)
    %dma_start3A_53 = arith.constant 7 : i32
    %dma_start3A_54 = arith.constant 0 : i32
    %dma_start3A_55 = tpu.memref_slice %arg8[%dma_start3A_53, %dma_start3A_54] : memref<200x128xi32, #tpu.memory_space<vmem>> -> memref<1x128xi32, #tpu.memory_space<vmem>>
    %dma_start3A_56 = tpu.memref_squeeze %dma_start3A_55 : memref<1x128xi32, #tpu.memory_space<vmem>> -> memref<128xi32, #tpu.memory_space<vmem>>
    %dma_start3A_57 = arith.constant 0 : i32
    %dma_start3A_58 = arith.constant 0 : i32
    %dma_start3A_59 = tpu.memref_slice %arg2[%dma_start3A_57, %dma_start3A_58] : memref<1000000x32xf32, #tpu.memory_space<hbm>> -> memref<1000000x32xf32, #tpu.memory_space<hbm>>
    tpu.enqueue_indirect_dma source(%dma_start3A_59 : memref<1000000x32xf32, #tpu.memory_space<hbm>>) target(%arg17 : memref<128x32xf32, #tpu.memory_space<vmem>>) offsets(%dma_start3A_56 : memref<128xi32, #tpu.memory_space<vmem>>) semaphore(%arg25 : memref<!tpu.dma_semaphore, #tpu.memory_space<semaphore_mem>>)
    %scan3A = arith.constant 0 : i32
    %scan3A_60 = arith.constant 0 : i32
    %scan3A_61 = arith.constant 25 : i32
    %scan3A_62 = arith.addi %scan3A_60, %scan3A_61 : i32
    %scan3A_63 = arith.constant 1 : i32
    scf.for %scan3A_65 = %scan3A_60 to %scan3A_62 step %scan3A_63  : i32 {
      %mul3A_66 = arith.constant 8 : i32
      %mul3A_67 = arith.muli %scan3A_65, %mul3A_66 : i32
      %add3A_68 = arith.constant 0 : i32
      %add3A_69 = arith.addi %mul3A_67, %add3A_68 : i32
      %dma_wait3A = arith.constant 0 : i32
      %dma_wait3A_70 = tpu.memref_slice %arg8[%add3A_69, %dma_wait3A] : memref<200x128xi32, #tpu.memory_space<vmem>> -> memref<1x128xi32, #tpu.memory_space<vmem>>
      %dma_wait3A_71 = tpu.memref_squeeze %dma_wait3A_70 : memref<1x128xi32, #tpu.memory_space<vmem>> -> memref<128xi32, #tpu.memory_space<vmem>>
      %dma_wait3A_72 = arith.constant 0 : i32
      %dma_wait3A_73 = arith.constant 0 : i32
      %dma_wait3A_74 = tpu.memref_slice %arg2[%dma_wait3A_72, %dma_wait3A_73] : memref<1000000x32xf32, #tpu.memory_space<hbm>> -> memref<1000000x32xf32, #tpu.memory_space<hbm>>
      tpu.wait_indirect_dma semaphore(%arg18 : memref<!tpu.dma_semaphore, #tpu.memory_space<semaphore_mem>>) src(%dma_wait3A_74 : memref<1000000x32xf32, #tpu.memory_space<hbm>>) dst(%arg10 : memref<128x32xf32, #tpu.memory_space<vmem>>)
      %dma_start3A_75 = arith.constant 0 : i32
      %dma_start3A_76 = tpu.memref_slice %arg9[%add3A_69, %dma_start3A_75] : memref<200x128xi32, #tpu.memory_space<vmem>> -> memref<1x128xi32, #tpu.memory_space<vmem>>
      %dma_start3A_77 = tpu.memref_squeeze %dma_start3A_76 : memref<1x128xi32, #tpu.memory_space<vmem>> -> memref<128xi32, #tpu.memory_space<vmem>>
      %dma_start3A_78 = arith.constant 0 : i32
      %dma_start3A_79 = arith.constant 0 : i32
      %dma_start3A_80 = tpu.memref_slice %arg7[%dma_start3A_78, %dma_start3A_79] : memref<4096x32xf32, #tpu.memory_space<vmem_shared>> -> memref<4096x32xf32, #tpu.memory_space<vmem_shared>>
      tpu.enqueue_indirect_dma source(%arg10 : memref<128x32xf32, #tpu.memory_space<vmem>>) target(%dma_start3A_80 : memref<4096x32xf32, #tpu.memory_space<vmem_shared>>) offsets(%dma_start3A_77 : memref<128xi32, #tpu.memory_space<vmem>>) semaphore(%arg26 : memref<!tpu.dma_semaphore, #tpu.memory_space<semaphore_mem>>) {add = true}
      %mul3A_81 = arith.constant 8 : i32
      %mul3A_82 = arith.muli %scan3A_65, %mul3A_81 : i32
      %add3A_83 = arith.constant 1 : i32
      %add3A_84 = arith.addi %mul3A_82, %add3A_83 : i32
      %dma_wait3A_85 = arith.constant 0 : i32
      %dma_wait3A_86 = tpu.memref_slice %arg8[%add3A_84, %dma_wait3A_85] : memref<200x128xi32, #tpu.memory_space<vmem>> -> memref<1x128xi32, #tpu.memory_space<vmem>>
      %dma_wait3A_87 = tpu.memref_squeeze %dma_wait3A_86 : memref<1x128xi32, #tpu.memory_space<vmem>> -> memref<128xi32, #tpu.memory_space<vmem>>
      %dma_wait3A_88 = arith.constant 0 : i32
      %dma_wait3A_89 = arith.constant 0 : i32
      %dma_wait3A_90 = tpu.memref_slice %arg2[%dma_wait3A_88, %dma_wait3A_89] : memref<1000000x32xf32, #tpu.memory_space<hbm>> -> memref<1000000x32xf32, #tpu.memory_space<hbm>>
      tpu.wait_indirect_dma semaphore(%arg19 : memref<!tpu.dma_semaphore, #tpu.memory_space<semaphore_mem>>) src(%dma_wait3A_90 : memref<1000000x32xf32, #tpu.memory_space<hbm>>) dst(%arg11 : memref<128x32xf32, #tpu.memory_space<vmem>>)
      %dma_start3A_91 = arith.constant 0 : i32
      %dma_start3A_92 = tpu.memref_slice %arg9[%add3A_84, %dma_start3A_91] : memref<200x128xi32, #tpu.memory_space<vmem>> -> memref<1x128xi32, #tpu.memory_space<vmem>>
      %dma_start3A_93 = tpu.memref_squeeze %dma_start3A_92 : memref<1x128xi32, #tpu.memory_space<vmem>> -> memref<128xi32, #tpu.memory_space<vmem>>
      %dma_start3A_94 = arith.constant 0 : i32
      %dma_start3A_95 = arith.constant 0 : i32
      %dma_start3A_96 = tpu.memref_slice %arg7[%dma_start3A_94, %dma_start3A_95] : memref<4096x32xf32, #tpu.memory_space<vmem_shared>> -> memref<4096x32xf32, #tpu.memory_space<vmem_shared>>
      tpu.enqueue_indirect_dma source(%arg11 : memref<128x32xf32, #tpu.memory_space<vmem>>) target(%dma_start3A_96 : memref<4096x32xf32, #tpu.memory_space<vmem_shared>>) offsets(%dma_start3A_93 : memref<128xi32, #tpu.memory_space<vmem>>) semaphore(%arg27 : memref<!tpu.dma_semaphore, #tpu.memory_space<semaphore_mem>>) {add = true}
      %mul3A_97 = arith.constant 8 : i32
      %mul3A_98 = arith.muli %scan3A_65, %mul3A_97 : i32
      %add3A_99 = arith.constant 2 : i32
      %add3A_100 = arith.addi %mul3A_98, %add3A_99 : i32
      %dma_wait3A_101 = arith.constant 0 : i32
      %dma_wait3A_102 = tpu.memref_slice %arg8[%add3A_100, %dma_wait3A_101] : memref<200x128xi32, #tpu.memory_space<vmem>> -> memref<1x128xi32, #tpu.memory_space<vmem>>
      %dma_wait3A_103 = tpu.memref_squeeze %dma_wait3A_102 : memref<1x128xi32, #tpu.memory_space<vmem>> -> memref<128xi32, #tpu.memory_space<vmem>>
      %dma_wait3A_104 = arith.constant 0 : i32
      %dma_wait3A_105 = arith.constant 0 : i32
      %dma_wait3A_106 = tpu.memref_slice %arg2[%dma_wait3A_104, %dma_wait3A_105] : memref<1000000x32xf32, #tpu.memory_space<hbm>> -> memref<1000000x32xf32, #tpu.memory_space<hbm>>
      tpu.wait_indirect_dma semaphore(%arg20 : memref<!tpu.dma_semaphore, #tpu.memory_space<semaphore_mem>>) src(%dma_wait3A_106 : memref<1000000x32xf32, #tpu.memory_space<hbm>>) dst(%arg12 : memref<128x32xf32, #tpu.memory_space<vmem>>)
      %dma_start3A_107 = arith.constant 0 : i32
      %dma_start3A_108 = tpu.memref_slice %arg9[%add3A_100, %dma_start3A_107] : memref<200x128xi32, #tpu.memory_space<vmem>> -> memref<1x128xi32, #tpu.memory_space<vmem>>
      %dma_start3A_109 = tpu.memref_squeeze %dma_start3A_108 : memref<1x128xi32, #tpu.memory_space<vmem>> -> memref<128xi32, #tpu.memory_space<vmem>>
      %dma_start3A_110 = arith.constant 0 : i32
      %dma_start3A_111 = arith.constant 0 : i32
      %dma_start3A_112 = tpu.memref_slice %arg7[%dma_start3A_110, %dma_start3A_111] : memref<4096x32xf32, #tpu.memory_space<vmem_shared>> -> memref<4096x32xf32, #tpu.memory_space<vmem_shared>>
      tpu.enqueue_indirect_dma source(%arg12 : memref<128x32xf32, #tpu.memory_space<vmem>>) target(%dma_start3A_112 : memref<4096x32xf32, #tpu.memory_space<vmem_shared>>) offsets(%dma_start3A_109 : memref<128xi32, #tpu.memory_space<vmem>>) semaphore(%arg28 : memref<!tpu.dma_semaphore, #tpu.memory_space<semaphore_mem>>) {add = true}
      %mul3A_113 = arith.constant 8 : i32
      %mul3A_114 = arith.muli %scan3A_65, %mul3A_113 : i32
      %add3A_115 = arith.constant 3 : i32
      %add3A_116 = arith.addi %mul3A_114, %add3A_115 : i32
      %dma_wait3A_117 = arith.constant 0 : i32
      %dma_wait3A_118 = tpu.memref_slice %arg8[%add3A_116, %dma_wait3A_117] : memref<200x128xi32, #tpu.memory_space<vmem>> -> memref<1x128xi32, #tpu.memory_space<vmem>>
      %dma_wait3A_119 = tpu.memref_squeeze %dma_wait3A_118 : memref<1x128xi32, #tpu.memory_space<vmem>> -> memref<128xi32, #tpu.memory_space<vmem>>
      %dma_wait3A_120 = arith.constant 0 : i32
      %dma_wait3A_121 = arith.constant 0 : i32
      %dma_wait3A_122 = tpu.memref_slice %arg2[%dma_wait3A_120, %dma_wait3A_121] : memref<1000000x32xf32, #tpu.memory_space<hbm>> -> memref<1000000x32xf32, #tpu.memory_space<hbm>>
      tpu.wait_indirect_dma semaphore(%arg21 : memref<!tpu.dma_semaphore, #tpu.memory_space<semaphore_mem>>) src(%dma_wait3A_122 : memref<1000000x32xf32, #tpu.memory_space<hbm>>) dst(%arg13 : memref<128x32xf32, #tpu.memory_space<vmem>>)
      %dma_start3A_123 = arith.constant 0 : i32
      %dma_start3A_124 = tpu.memref_slice %arg9[%add3A_116, %dma_start3A_123] : memref<200x128xi32, #tpu.memory_space<vmem>> -> memref<1x128xi32, #tpu.memory_space<vmem>>
      %dma_start3A_125 = tpu.memref_squeeze %dma_start3A_124 : memref<1x128xi32, #tpu.memory_space<vmem>> -> memref<128xi32, #tpu.memory_space<vmem>>
      %dma_start3A_126 = arith.constant 0 : i32
      %dma_start3A_127 = arith.constant 0 : i32
      %dma_start3A_128 = tpu.memref_slice %arg7[%dma_start3A_126, %dma_start3A_127] : memref<4096x32xf32, #tpu.memory_space<vmem_shared>> -> memref<4096x32xf32, #tpu.memory_space<vmem_shared>>
      tpu.enqueue_indirect_dma source(%arg13 : memref<128x32xf32, #tpu.memory_space<vmem>>) target(%dma_start3A_128 : memref<4096x32xf32, #tpu.memory_space<vmem_shared>>) offsets(%dma_start3A_125 : memref<128xi32, #tpu.memory_space<vmem>>) semaphore(%arg29 : memref<!tpu.dma_semaphore, #tpu.memory_space<semaphore_mem>>) {add = true}
      %mul3A_129 = arith.constant 8 : i32
      %mul3A_130 = arith.muli %scan3A_65, %mul3A_129 : i32
      %add3A_131 = arith.constant 4 : i32
      %add3A_132 = arith.addi %mul3A_130, %add3A_131 : i32
      %dma_wait3A_133 = arith.constant 0 : i32
      %dma_wait3A_134 = tpu.memref_slice %arg8[%add3A_132, %dma_wait3A_133] : memref<200x128xi32, #tpu.memory_space<vmem>> -> memref<1x128xi32, #tpu.memory_space<vmem>>
      %dma_wait3A_135 = tpu.memref_squeeze %dma_wait3A_134 : memref<1x128xi32, #tpu.memory_space<vmem>> -> memref<128xi32, #tpu.memory_space<vmem>>
      %dma_wait3A_136 = arith.constant 0 : i32
      %dma_wait3A_137 = arith.constant 0 : i32
      %dma_wait3A_138 = tpu.memref_slice %arg2[%dma_wait3A_136, %dma_wait3A_137] : memref<1000000x32xf32, #tpu.memory_space<hbm>> -> memref<1000000x32xf32, #tpu.memory_space<hbm>>
      tpu.wait_indirect_dma semaphore(%arg22 : memref<!tpu.dma_semaphore, #tpu.memory_space<semaphore_mem>>) src(%dma_wait3A_138 : memref<1000000x32xf32, #tpu.memory_space<hbm>>) dst(%arg14 : memref<128x32xf32, #tpu.memory_space<vmem>>)
      %dma_start3A_139 = arith.constant 0 : i32
      %dma_start3A_140 = tpu.memref_slice %arg9[%add3A_132, %dma_start3A_139] : memref<200x128xi32, #tpu.memory_space<vmem>> -> memref<1x128xi32, #tpu.memory_space<vmem>>
      %dma_start3A_141 = tpu.memref_squeeze %dma_start3A_140 : memref<1x128xi32, #tpu.memory_space<vmem>> -> memref<128xi32, #tpu.memory_space<vmem>>
      %dma_start3A_142 = arith.constant 0 : i32
      %dma_start3A_143 = arith.constant 0 : i32
      %dma_start3A_144 = tpu.memref_slice %arg7[%dma_start3A_142, %dma_start3A_143] : memref<4096x32xf32, #tpu.memory_space<vmem_shared>> -> memref<4096x32xf32, #tpu.memory_space<vmem_shared>>
      tpu.enqueue_indirect_dma source(%arg14 : memref<128x32xf32, #tpu.memory_space<vmem>>) target(%dma_start3A_144 : memref<4096x32xf32, #tpu.memory_space<vmem_shared>>) offsets(%dma_start3A_141 : memref<128xi32, #tpu.memory_space<vmem>>) semaphore(%arg30 : memref<!tpu.dma_semaphore, #tpu.memory_space<semaphore_mem>>) {add = true}
      %mul3A_145 = arith.constant 8 : i32
      %mul3A_146 = arith.muli %scan3A_65, %mul3A_145 : i32
      %add3A_147 = arith.constant 5 : i32
      %add3A_148 = arith.addi %mul3A_146, %add3A_147 : i32
      %dma_wait3A_149 = arith.constant 0 : i32
      %dma_wait3A_150 = tpu.memref_slice %arg8[%add3A_148, %dma_wait3A_149] : memref<200x128xi32, #tpu.memory_space<vmem>> -> memref<1x128xi32, #tpu.memory_space<vmem>>
      %dma_wait3A_151 = tpu.memref_squeeze %dma_wait3A_150 : memref<1x128xi32, #tpu.memory_space<vmem>> -> memref<128xi32, #tpu.memory_space<vmem>>
      %dma_wait3A_152 = arith.constant 0 : i32
      %dma_wait3A_153 = arith.constant 0 : i32
      %dma_wait3A_154 = tpu.memref_slice %arg2[%dma_wait3A_152, %dma_wait3A_153] : memref<1000000x32xf32, #tpu.memory_space<hbm>> -> memref<1000000x32xf32, #tpu.memory_space<hbm>>
      tpu.wait_indirect_dma semaphore(%arg23 : memref<!tpu.dma_semaphore, #tpu.memory_space<semaphore_mem>>) src(%dma_wait3A_154 : memref<1000000x32xf32, #tpu.memory_space<hbm>>) dst(%arg15 : memref<128x32xf32, #tpu.memory_space<vmem>>)
      %dma_start3A_155 = arith.constant 0 : i32
      %dma_start3A_156 = tpu.memref_slice %arg9[%add3A_148, %dma_start3A_155] : memref<200x128xi32, #tpu.memory_space<vmem>> -> memref<1x128xi32, #tpu.memory_space<vmem>>
      %dma_start3A_157 = tpu.memref_squeeze %dma_start3A_156 : memref<1x128xi32, #tpu.memory_space<vmem>> -> memref<128xi32, #tpu.memory_space<vmem>>
      %dma_start3A_158 = arith.constant 0 : i32
      %dma_start3A_159 = arith.constant 0 : i32
      %dma_start3A_160 = tpu.memref_slice %arg7[%dma_start3A_158, %dma_start3A_159] : memref<4096x32xf32, #tpu.memory_space<vmem_shared>> -> memref<4096x32xf32, #tpu.memory_space<vmem_shared>>
      tpu.enqueue_indirect_dma source(%arg15 : memref<128x32xf32, #tpu.memory_space<vmem>>) target(%dma_start3A_160 : memref<4096x32xf32, #tpu.memory_space<vmem_shared>>) offsets(%dma_start3A_157 : memref<128xi32, #tpu.memory_space<vmem>>) semaphore(%arg31 : memref<!tpu.dma_semaphore, #tpu.memory_space<semaphore_mem>>) {add = true}
      %mul3A_161 = arith.constant 8 : i32
      %mul3A_162 = arith.muli %scan3A_65, %mul3A_161 : i32
      %add3A_163 = arith.constant 6 : i32
      %add3A_164 = arith.addi %mul3A_162, %add3A_163 : i32
      %dma_wait3A_165 = arith.constant 0 : i32
      %dma_wait3A_166 = tpu.memref_slice %arg8[%add3A_164, %dma_wait3A_165] : memref<200x128xi32, #tpu.memory_space<vmem>> -> memref<1x128xi32, #tpu.memory_space<vmem>>
      %dma_wait3A_167 = tpu.memref_squeeze %dma_wait3A_166 : memref<1x128xi32, #tpu.memory_space<vmem>> -> memref<128xi32, #tpu.memory_space<vmem>>
      %dma_wait3A_168 = arith.constant 0 : i32
      %dma_wait3A_169 = arith.constant 0 : i32
      %dma_wait3A_170 = tpu.memref_slice %arg2[%dma_wait3A_168, %dma_wait3A_169] : memref<1000000x32xf32, #tpu.memory_space<hbm>> -> memref<1000000x32xf32, #tpu.memory_space<hbm>>
      tpu.wait_indirect_dma semaphore(%arg24 : memref<!tpu.dma_semaphore, #tpu.memory_space<semaphore_mem>>) src(%dma_wait3A_170 : memref<1000000x32xf32, #tpu.memory_space<hbm>>) dst(%arg16 : memref<128x32xf32, #tpu.memory_space<vmem>>)
      %dma_start3A_171 = arith.constant 0 : i32
      %dma_start3A_172 = tpu.memref_slice %arg9[%add3A_164, %dma_start3A_171] : memref<200x128xi32, #tpu.memory_space<vmem>> -> memref<1x128xi32, #tpu.memory_space<vmem>>
      %dma_start3A_173 = tpu.memref_squeeze %dma_start3A_172 : memref<1x128xi32, #tpu.memory_space<vmem>> -> memref<128xi32, #tpu.memory_space<vmem>>
      %dma_start3A_174 = arith.constant 0 : i32
      %dma_start3A_175 = arith.constant 0 : i32
      %dma_start3A_176 = tpu.memref_slice %arg7[%dma_start3A_174, %dma_start3A_175] : memref<4096x32xf32, #tpu.memory_space<vmem_shared>> -> memref<4096x32xf32, #tpu.memory_space<vmem_shared>>
      tpu.enqueue_indirect_dma source(%arg16 : memref<128x32xf32, #tpu.memory_space<vmem>>) target(%dma_start3A_176 : memref<4096x32xf32, #tpu.memory_space<vmem_shared>>) offsets(%dma_start3A_173 : memref<128xi32, #tpu.memory_space<vmem>>) semaphore(%arg32 : memref<!tpu.dma_semaphore, #tpu.memory_space<semaphore_mem>>) {add = true}
      %mul3A_177 = arith.constant 8 : i32
      %mul3A_178 = arith.muli %scan3A_65, %mul3A_177 : i32
      %add3A_179 = arith.constant 7 : i32
      %add3A_180 = arith.addi %mul3A_178, %add3A_179 : i32
      %dma_wait3A_181 = arith.constant 0 : i32
      %dma_wait3A_182 = tpu.memref_slice %arg8[%add3A_180, %dma_wait3A_181] : memref<200x128xi32, #tpu.memory_space<vmem>> -> memref<1x128xi32, #tpu.memory_space<vmem>>
      %dma_wait3A_183 = tpu.memref_squeeze %dma_wait3A_182 : memref<1x128xi32, #tpu.memory_space<vmem>> -> memref<128xi32, #tpu.memory_space<vmem>>
      %dma_wait3A_184 = arith.constant 0 : i32
      %dma_wait3A_185 = arith.constant 0 : i32
      %dma_wait3A_186 = tpu.memref_slice %arg2[%dma_wait3A_184, %dma_wait3A_185] : memref<1000000x32xf32, #tpu.memory_space<hbm>> -> memref<1000000x32xf32, #tpu.memory_space<hbm>>
      tpu.wait_indirect_dma semaphore(%arg25 : memref<!tpu.dma_semaphore, #tpu.memory_space<semaphore_mem>>) src(%dma_wait3A_186 : memref<1000000x32xf32, #tpu.memory_space<hbm>>) dst(%arg17 : memref<128x32xf32, #tpu.memory_space<vmem>>)
      %dma_start3A_187 = arith.constant 0 : i32
      %dma_start3A_188 = tpu.memref_slice %arg9[%add3A_180, %dma_start3A_187] : memref<200x128xi32, #tpu.memory_space<vmem>> -> memref<1x128xi32, #tpu.memory_space<vmem>>
      %dma_start3A_189 = tpu.memref_squeeze %dma_start3A_188 : memref<1x128xi32, #tpu.memory_space<vmem>> -> memref<128xi32, #tpu.memory_space<vmem>>
      %dma_start3A_190 = arith.constant 0 : i32
      %dma_start3A_191 = arith.constant 0 : i32
      %dma_start3A_192 = tpu.memref_slice %arg7[%dma_start3A_190, %dma_start3A_191] : memref<4096x32xf32, #tpu.memory_space<vmem_shared>> -> memref<4096x32xf32, #tpu.memory_space<vmem_shared>>
      tpu.enqueue_indirect_dma source(%arg17 : memref<128x32xf32, #tpu.memory_space<vmem>>) target(%dma_start3A_192 : memref<4096x32xf32, #tpu.memory_space<vmem_shared>>) offsets(%dma_start3A_189 : memref<128xi32, #tpu.memory_space<vmem>>) semaphore(%arg33 : memref<!tpu.dma_semaphore, #tpu.memory_space<semaphore_mem>>) {add = true}
      %mul3A_193 = arith.constant 8 : i32
      %mul3A_194 = arith.muli %scan3A_65, %mul3A_193 : i32
      %add3A_195 = arith.constant 0 : i32
      %add3A_196 = arith.addi %mul3A_194, %add3A_195 : i32
      %dma_wait3A_197 = arith.constant 0 : i32
      %dma_wait3A_198 = tpu.memref_slice %arg9[%add3A_196, %dma_wait3A_197] : memref<200x128xi32, #tpu.memory_space<vmem>> -> memref<1x128xi32, #tpu.memory_space<vmem>>
      %dma_wait3A_199 = tpu.memref_squeeze %dma_wait3A_198 : memref<1x128xi32, #tpu.memory_space<vmem>> -> memref<128xi32, #tpu.memory_space<vmem>>
      %dma_wait3A_200 = arith.constant 0 : i32
      %dma_wait3A_201 = arith.constant 0 : i32
      %dma_wait3A_202 = tpu.memref_slice %arg7[%dma_wait3A_200, %dma_wait3A_201] : memref<4096x32xf32, #tpu.memory_space<vmem_shared>> -> memref<4096x32xf32, #tpu.memory_space<vmem_shared>>
      tpu.wait_indirect_dma semaphore(%arg26 : memref<!tpu.dma_semaphore, #tpu.memory_space<semaphore_mem>>) src(%arg10 : memref<128x32xf32, #tpu.memory_space<vmem>>) dst(%dma_wait3A_202 : memref<4096x32xf32, #tpu.memory_space<vmem_shared>>)
      %add3A_203 = arith.constant 8 : i32
      %add3A_204 = arith.addi %add3A_196, %add3A_203 : i32
      %lt3A = arith.constant 200 : i32
      %lt3A_205 = arith.cmpi slt, %add3A_204, %lt3A : i32
      %convert_element_type3A = arith.extui %lt3A_205 : i1 to i32
      %cond3A = arith.constant 0 : i32
      %cond3A_206 = arith.cmpi ne, %convert_element_type3A, %cond3A : i32
      scf.if %cond3A_206 {
        %add3A_326 = arith.constant 8 : i32
        %add3A_327 = arith.addi %add3A_196, %add3A_326 : i32
        %dma_start3A_328 = arith.constant 0 : i32
        %dma_start3A_329 = tpu.memref_slice %arg8[%add3A_327, %dma_start3A_328] : memref<200x128xi32, #tpu.memory_space<vmem>> -> memref<1x128xi32, #tpu.memory_space<vmem>>
        %dma_start3A_330 = tpu.memref_squeeze %dma_start3A_329 : memref<1x128xi32, #tpu.memory_space<vmem>> -> memref<128xi32, #tpu.memory_space<vmem>>
        %dma_start3A_331 = arith.constant 0 : i32
        %dma_start3A_332 = arith.constant 0 : i32
        %dma_start3A_333 = tpu.memref_slice %arg2[%dma_start3A_331, %dma_start3A_332] : memref<1000000x32xf32, #tpu.memory_space<hbm>> -> memref<1000000x32xf32, #tpu.memory_space<hbm>>
        tpu.enqueue_indirect_dma source(%dma_start3A_333 : memref<1000000x32xf32, #tpu.memory_space<hbm>>) target(%arg10 : memref<128x32xf32, #tpu.memory_space<vmem>>) offsets(%dma_start3A_330 : memref<128xi32, #tpu.memory_space<vmem>>) semaphore(%arg18 : memref<!tpu.dma_semaphore, #tpu.memory_space<semaphore_mem>>)
      } else {
      }
      %mul3A_207 = arith.constant 8 : i32
      %mul3A_208 = arith.muli %scan3A_65, %mul3A_207 : i32
      %add3A_209 = arith.constant 1 : i32
      %add3A_210 = arith.addi %mul3A_208, %add3A_209 : i32
      %dma_wait3A_211 = arith.constant 0 : i32
      %dma_wait3A_212 = tpu.memref_slice %arg9[%add3A_210, %dma_wait3A_211] : memref<200x128xi32, #tpu.memory_space<vmem>> -> memref<1x128xi32, #tpu.memory_space<vmem>>
      %dma_wait3A_213 = tpu.memref_squeeze %dma_wait3A_212 : memref<1x128xi32, #tpu.memory_space<vmem>> -> memref<128xi32, #tpu.memory_space<vmem>>
      %dma_wait3A_214 = arith.constant 0 : i32
      %dma_wait3A_215 = arith.constant 0 : i32
      %dma_wait3A_216 = tpu.memref_slice %arg7[%dma_wait3A_214, %dma_wait3A_215] : memref<4096x32xf32, #tpu.memory_space<vmem_shared>> -> memref<4096x32xf32, #tpu.memory_space<vmem_shared>>
      tpu.wait_indirect_dma semaphore(%arg27 : memref<!tpu.dma_semaphore, #tpu.memory_space<semaphore_mem>>) src(%arg11 : memref<128x32xf32, #tpu.memory_space<vmem>>) dst(%dma_wait3A_216 : memref<4096x32xf32, #tpu.memory_space<vmem_shared>>)
      %add3A_217 = arith.constant 8 : i32
      %add3A_218 = arith.addi %add3A_210, %add3A_217 : i32
      %lt3A_219 = arith.constant 200 : i32
      %lt3A_220 = arith.cmpi slt, %add3A_218, %lt3A_219 : i32
      %convert_element_type3A_221 = arith.extui %lt3A_220 : i1 to i32
      %cond3A_222 = arith.constant 0 : i32
      %cond3A_223 = arith.cmpi ne, %convert_element_type3A_221, %cond3A_222 : i32
      scf.if %cond3A_223 {
        %add3A_326 = arith.constant 8 : i32
        %add3A_327 = arith.addi %add3A_210, %add3A_326 : i32
        %dma_start3A_328 = arith.constant 0 : i32
        %dma_start3A_329 = tpu.memref_slice %arg8[%add3A_327, %dma_start3A_328] : memref<200x128xi32, #tpu.memory_space<vmem>> -> memref<1x128xi32, #tpu.memory_space<vmem>>
        %dma_start3A_330 = tpu.memref_squeeze %dma_start3A_329 : memref<1x128xi32, #tpu.memory_space<vmem>> -> memref<128xi32, #tpu.memory_space<vmem>>
        %dma_start3A_331 = arith.constant 0 : i32
        %dma_start3A_332 = arith.constant 0 : i32
        %dma_start3A_333 = tpu.memref_slice %arg2[%dma_start3A_331, %dma_start3A_332] : memref<1000000x32xf32, #tpu.memory_space<hbm>> -> memref<1000000x32xf32, #tpu.memory_space<hbm>>
        tpu.enqueue_indirect_dma source(%dma_start3A_333 : memref<1000000x32xf32, #tpu.memory_space<hbm>>) target(%arg11 : memref<128x32xf32, #tpu.memory_space<vmem>>) offsets(%dma_start3A_330 : memref<128xi32, #tpu.memory_space<vmem>>) semaphore(%arg19 : memref<!tpu.dma_semaphore, #tpu.memory_space<semaphore_mem>>)
      } else {
      }
      %mul3A_224 = arith.constant 8 : i32
      %mul3A_225 = arith.muli %scan3A_65, %mul3A_224 : i32
      %add3A_226 = arith.constant 2 : i32
      %add3A_227 = arith.addi %mul3A_225, %add3A_226 : i32
      %dma_wait3A_228 = arith.constant 0 : i32
      %dma_wait3A_229 = tpu.memref_slice %arg9[%add3A_227, %dma_wait3A_228] : memref<200x128xi32, #tpu.memory_space<vmem>> -> memref<1x128xi32, #tpu.memory_space<vmem>>
      %dma_wait3A_230 = tpu.memref_squeeze %dma_wait3A_229 : memref<1x128xi32, #tpu.memory_space<vmem>> -> memref<128xi32, #tpu.memory_space<vmem>>
      %dma_wait3A_231 = arith.constant 0 : i32
      %dma_wait3A_232 = arith.constant 0 : i32
      %dma_wait3A_233 = tpu.memref_slice %arg7[%dma_wait3A_231, %dma_wait3A_232] : memref<4096x32xf32, #tpu.memory_space<vmem_shared>> -> memref<4096x32xf32, #tpu.memory_space<vmem_shared>>
      tpu.wait_indirect_dma semaphore(%arg28 : memref<!tpu.dma_semaphore, #tpu.memory_space<semaphore_mem>>) src(%arg12 : memref<128x32xf32, #tpu.memory_space<vmem>>) dst(%dma_wait3A_233 : memref<4096x32xf32, #tpu.memory_space<vmem_shared>>)
      %add3A_234 = arith.constant 8 : i32
      %add3A_235 = arith.addi %add3A_227, %add3A_234 : i32
      %lt3A_236 = arith.constant 200 : i32
      %lt3A_237 = arith.cmpi slt, %add3A_235, %lt3A_236 : i32
      %convert_element_type3A_238 = arith.extui %lt3A_237 : i1 to i32
      %cond3A_239 = arith.constant 0 : i32
      %cond3A_240 = arith.cmpi ne, %convert_element_type3A_238, %cond3A_239 : i32
      scf.if %cond3A_240 {
        %add3A_326 = arith.constant 8 : i32
        %add3A_327 = arith.addi %add3A_227, %add3A_326 : i32
        %dma_start3A_328 = arith.constant 0 : i32
        %dma_start3A_329 = tpu.memref_slice %arg8[%add3A_327, %dma_start3A_328] : memref<200x128xi32, #tpu.memory_space<vmem>> -> memref<1x128xi32, #tpu.memory_space<vmem>>
        %dma_start3A_330 = tpu.memref_squeeze %dma_start3A_329 : memref<1x128xi32, #tpu.memory_space<vmem>> -> memref<128xi32, #tpu.memory_space<vmem>>
        %dma_start3A_331 = arith.constant 0 : i32
        %dma_start3A_332 = arith.constant 0 : i32
        %dma_start3A_333 = tpu.memref_slice %arg2[%dma_start3A_331, %dma_start3A_332] : memref<1000000x32xf32, #tpu.memory_space<hbm>> -> memref<1000000x32xf32, #tpu.memory_space<hbm>>
        tpu.enqueue_indirect_dma source(%dma_start3A_333 : memref<1000000x32xf32, #tpu.memory_space<hbm>>) target(%arg12 : memref<128x32xf32, #tpu.memory_space<vmem>>) offsets(%dma_start3A_330 : memref<128xi32, #tpu.memory_space<vmem>>) semaphore(%arg20 : memref<!tpu.dma_semaphore, #tpu.memory_space<semaphore_mem>>)
      } else {
      }
      %mul3A_241 = arith.constant 8 : i32
      %mul3A_242 = arith.muli %scan3A_65, %mul3A_241 : i32
      %add3A_243 = arith.constant 3 : i32
      %add3A_244 = arith.addi %mul3A_242, %add3A_243 : i32
      %dma_wait3A_245 = arith.constant 0 : i32
      %dma_wait3A_246 = tpu.memref_slice %arg9[%add3A_244, %dma_wait3A_245] : memref<200x128xi32, #tpu.memory_space<vmem>> -> memref<1x128xi32, #tpu.memory_space<vmem>>
      %dma_wait3A_247 = tpu.memref_squeeze %dma_wait3A_246 : memref<1x128xi32, #tpu.memory_space<vmem>> -> memref<128xi32, #tpu.memory_space<vmem>>
      %dma_wait3A_248 = arith.constant 0 : i32
      %dma_wait3A_249 = arith.constant 0 : i32
      %dma_wait3A_250 = tpu.memref_slice %arg7[%dma_wait3A_248, %dma_wait3A_249] : memref<4096x32xf32, #tpu.memory_space<vmem_shared>> -> memref<4096x32xf32, #tpu.memory_space<vmem_shared>>
      tpu.wait_indirect_dma semaphore(%arg29 : memref<!tpu.dma_semaphore, #tpu.memory_space<semaphore_mem>>) src(%arg13 : memref<128x32xf32, #tpu.memory_space<vmem>>) dst(%dma_wait3A_250 : memref<4096x32xf32, #tpu.memory_space<vmem_shared>>)
      %add3A_251 = arith.constant 8 : i32
      %add3A_252 = arith.addi %add3A_244, %add3A_251 : i32
      %lt3A_253 = arith.constant 200 : i32
      %lt3A_254 = arith.cmpi slt, %add3A_252, %lt3A_253 : i32
      %convert_element_type3A_255 = arith.extui %lt3A_254 : i1 to i32
      %cond3A_256 = arith.constant 0 : i32
      %cond3A_257 = arith.cmpi ne, %convert_element_type3A_255, %cond3A_256 : i32
      scf.if %cond3A_257 {
        %add3A_326 = arith.constant 8 : i32
        %add3A_327 = arith.addi %add3A_244, %add3A_326 : i32
        %dma_start3A_328 = arith.constant 0 : i32
        %dma_start3A_329 = tpu.memref_slice %arg8[%add3A_327, %dma_start3A_328] : memref<200x128xi32, #tpu.memory_space<vmem>> -> memref<1x128xi32, #tpu.memory_space<vmem>>
        %dma_start3A_330 = tpu.memref_squeeze %dma_start3A_329 : memref<1x128xi32, #tpu.memory_space<vmem>> -> memref<128xi32, #tpu.memory_space<vmem>>
        %dma_start3A_331 = arith.constant 0 : i32
        %dma_start3A_332 = arith.constant 0 : i32
        %dma_start3A_333 = tpu.memref_slice %arg2[%dma_start3A_331, %dma_start3A_332] : memref<1000000x32xf32, #tpu.memory_space<hbm>> -> memref<1000000x32xf32, #tpu.memory_space<hbm>>
        tpu.enqueue_indirect_dma source(%dma_start3A_333 : memref<1000000x32xf32, #tpu.memory_space<hbm>>) target(%arg13 : memref<128x32xf32, #tpu.memory_space<vmem>>) offsets(%dma_start3A_330 : memref<128xi32, #tpu.memory_space<vmem>>) semaphore(%arg21 : memref<!tpu.dma_semaphore, #tpu.memory_space<semaphore_mem>>)
      } else {
      }
      %mul3A_258 = arith.constant 8 : i32
      %mul3A_259 = arith.muli %scan3A_65, %mul3A_258 : i32
      %add3A_260 = arith.constant 4 : i32
      %add3A_261 = arith.addi %mul3A_259, %add3A_260 : i32
      %dma_wait3A_262 = arith.constant 0 : i32
      %dma_wait3A_263 = tpu.memref_slice %arg9[%add3A_261, %dma_wait3A_262] : memref<200x128xi32, #tpu.memory_space<vmem>> -> memref<1x128xi32, #tpu.memory_space<vmem>>
      %dma_wait3A_264 = tpu.memref_squeeze %dma_wait3A_263 : memref<1x128xi32, #tpu.memory_space<vmem>> -> memref<128xi32, #tpu.memory_space<vmem>>
      %dma_wait3A_265 = arith.constant 0 : i32
      %dma_wait3A_266 = arith.constant 0 : i32
      %dma_wait3A_267 = tpu.memref_slice %arg7[%dma_wait3A_265, %dma_wait3A_266] : memref<4096x32xf32, #tpu.memory_space<vmem_shared>> -> memref<4096x32xf32, #tpu.memory_space<vmem_shared>>
      tpu.wait_indirect_dma semaphore(%arg30 : memref<!tpu.dma_semaphore, #tpu.memory_space<semaphore_mem>>) src(%arg14 : memref<128x32xf32, #tpu.memory_space<vmem>>) dst(%dma_wait3A_267 : memref<4096x32xf32, #tpu.memory_space<vmem_shared>>)
      %add3A_268 = arith.constant 8 : i32
      %add3A_269 = arith.addi %add3A_261, %add3A_268 : i32
      %lt3A_270 = arith.constant 200 : i32
      %lt3A_271 = arith.cmpi slt, %add3A_269, %lt3A_270 : i32
      %convert_element_type3A_272 = arith.extui %lt3A_271 : i1 to i32
      %cond3A_273 = arith.constant 0 : i32
      %cond3A_274 = arith.cmpi ne, %convert_element_type3A_272, %cond3A_273 : i32
      scf.if %cond3A_274 {
        %add3A_326 = arith.constant 8 : i32
        %add3A_327 = arith.addi %add3A_261, %add3A_326 : i32
        %dma_start3A_328 = arith.constant 0 : i32
        %dma_start3A_329 = tpu.memref_slice %arg8[%add3A_327, %dma_start3A_328] : memref<200x128xi32, #tpu.memory_space<vmem>> -> memref<1x128xi32, #tpu.memory_space<vmem>>
        %dma_start3A_330 = tpu.memref_squeeze %dma_start3A_329 : memref<1x128xi32, #tpu.memory_space<vmem>> -> memref<128xi32, #tpu.memory_space<vmem>>
        %dma_start3A_331 = arith.constant 0 : i32
        %dma_start3A_332 = arith.constant 0 : i32
        %dma_start3A_333 = tpu.memref_slice %arg2[%dma_start3A_331, %dma_start3A_332] : memref<1000000x32xf32, #tpu.memory_space<hbm>> -> memref<1000000x32xf32, #tpu.memory_space<hbm>>
        tpu.enqueue_indirect_dma source(%dma_start3A_333 : memref<1000000x32xf32, #tpu.memory_space<hbm>>) target(%arg14 : memref<128x32xf32, #tpu.memory_space<vmem>>) offsets(%dma_start3A_330 : memref<128xi32, #tpu.memory_space<vmem>>) semaphore(%arg22 : memref<!tpu.dma_semaphore, #tpu.memory_space<semaphore_mem>>)
      } else {
      }
      %mul3A_275 = arith.constant 8 : i32
      %mul3A_276 = arith.muli %scan3A_65, %mul3A_275 : i32
      %add3A_277 = arith.constant 5 : i32
      %add3A_278 = arith.addi %mul3A_276, %add3A_277 : i32
      %dma_wait3A_279 = arith.constant 0 : i32
      %dma_wait3A_280 = tpu.memref_slice %arg9[%add3A_278, %dma_wait3A_279] : memref<200x128xi32, #tpu.memory_space<vmem>> -> memref<1x128xi32, #tpu.memory_space<vmem>>
      %dma_wait3A_281 = tpu.memref_squeeze %dma_wait3A_280 : memref<1x128xi32, #tpu.memory_space<vmem>> -> memref<128xi32, #tpu.memory_space<vmem>>
      %dma_wait3A_282 = arith.constant 0 : i32
      %dma_wait3A_283 = arith.constant 0 : i32
      %dma_wait3A_284 = tpu.memref_slice %arg7[%dma_wait3A_282, %dma_wait3A_283] : memref<4096x32xf32, #tpu.memory_space<vmem_shared>> -> memref<4096x32xf32, #tpu.memory_space<vmem_shared>>
      tpu.wait_indirect_dma semaphore(%arg31 : memref<!tpu.dma_semaphore, #tpu.memory_space<semaphore_mem>>) src(%arg15 : memref<128x32xf32, #tpu.memory_space<vmem>>) dst(%dma_wait3A_284 : memref<4096x32xf32, #tpu.memory_space<vmem_shared>>)
      %add3A_285 = arith.constant 8 : i32
      %add3A_286 = arith.addi %add3A_278, %add3A_285 : i32
      %lt3A_287 = arith.constant 200 : i32
      %lt3A_288 = arith.cmpi slt, %add3A_286, %lt3A_287 : i32
      %convert_element_type3A_289 = arith.extui %lt3A_288 : i1 to i32
      %cond3A_290 = arith.constant 0 : i32
      %cond3A_291 = arith.cmpi ne, %convert_element_type3A_289, %cond3A_290 : i32
      scf.if %cond3A_291 {
        %add3A_326 = arith.constant 8 : i32
        %add3A_327 = arith.addi %add3A_278, %add3A_326 : i32
        %dma_start3A_328 = arith.constant 0 : i32
        %dma_start3A_329 = tpu.memref_slice %arg8[%add3A_327, %dma_start3A_328] : memref<200x128xi32, #tpu.memory_space<vmem>> -> memref<1x128xi32, #tpu.memory_space<vmem>>
        %dma_start3A_330 = tpu.memref_squeeze %dma_start3A_329 : memref<1x128xi32, #tpu.memory_space<vmem>> -> memref<128xi32, #tpu.memory_space<vmem>>
        %dma_start3A_331 = arith.constant 0 : i32
        %dma_start3A_332 = arith.constant 0 : i32
        %dma_start3A_333 = tpu.memref_slice %arg2[%dma_start3A_331, %dma_start3A_332] : memref<1000000x32xf32, #tpu.memory_space<hbm>> -> memref<1000000x32xf32, #tpu.memory_space<hbm>>
        tpu.enqueue_indirect_dma source(%dma_start3A_333 : memref<1000000x32xf32, #tpu.memory_space<hbm>>) target(%arg15 : memref<128x32xf32, #tpu.memory_space<vmem>>) offsets(%dma_start3A_330 : memref<128xi32, #tpu.memory_space<vmem>>) semaphore(%arg23 : memref<!tpu.dma_semaphore, #tpu.memory_space<semaphore_mem>>)
      } else {
      }
      %mul3A_292 = arith.constant 8 : i32
      %mul3A_293 = arith.muli %scan3A_65, %mul3A_292 : i32
      %add3A_294 = arith.constant 6 : i32
      %add3A_295 = arith.addi %mul3A_293, %add3A_294 : i32
      %dma_wait3A_296 = arith.constant 0 : i32
      %dma_wait3A_297 = tpu.memref_slice %arg9[%add3A_295, %dma_wait3A_296] : memref<200x128xi32, #tpu.memory_space<vmem>> -> memref<1x128xi32, #tpu.memory_space<vmem>>
      %dma_wait3A_298 = tpu.memref_squeeze %dma_wait3A_297 : memref<1x128xi32, #tpu.memory_space<vmem>> -> memref<128xi32, #tpu.memory_space<vmem>>
      %dma_wait3A_299 = arith.constant 0 : i32
      %dma_wait3A_300 = arith.constant 0 : i32
      %dma_wait3A_301 = tpu.memref_slice %arg7[%dma_wait3A_299, %dma_wait3A_300] : memref<4096x32xf32, #tpu.memory_space<vmem_shared>> -> memref<4096x32xf32, #tpu.memory_space<vmem_shared>>
      tpu.wait_indirect_dma semaphore(%arg32 : memref<!tpu.dma_semaphore, #tpu.memory_space<semaphore_mem>>) src(%arg16 : memref<128x32xf32, #tpu.memory_space<vmem>>) dst(%dma_wait3A_301 : memref<4096x32xf32, #tpu.memory_space<vmem_shared>>)
      %add3A_302 = arith.constant 8 : i32
      %add3A_303 = arith.addi %add3A_295, %add3A_302 : i32
      %lt3A_304 = arith.constant 200 : i32
      %lt3A_305 = arith.cmpi slt, %add3A_303, %lt3A_304 : i32
      %convert_element_type3A_306 = arith.extui %lt3A_305 : i1 to i32
      %cond3A_307 = arith.constant 0 : i32
      %cond3A_308 = arith.cmpi ne, %convert_element_type3A_306, %cond3A_307 : i32
      scf.if %cond3A_308 {
        %add3A_326 = arith.constant 8 : i32
        %add3A_327 = arith.addi %add3A_295, %add3A_326 : i32
        %dma_start3A_328 = arith.constant 0 : i32
        %dma_start3A_329 = tpu.memref_slice %arg8[%add3A_327, %dma_start3A_328] : memref<200x128xi32, #tpu.memory_space<vmem>> -> memref<1x128xi32, #tpu.memory_space<vmem>>
        %dma_start3A_330 = tpu.memref_squeeze %dma_start3A_329 : memref<1x128xi32, #tpu.memory_space<vmem>> -> memref<128xi32, #tpu.memory_space<vmem>>
        %dma_start3A_331 = arith.constant 0 : i32
        %dma_start3A_332 = arith.constant 0 : i32
        %dma_start3A_333 = tpu.memref_slice %arg2[%dma_start3A_331, %dma_start3A_332] : memref<1000000x32xf32, #tpu.memory_space<hbm>> -> memref<1000000x32xf32, #tpu.memory_space<hbm>>
        tpu.enqueue_indirect_dma source(%dma_start3A_333 : memref<1000000x32xf32, #tpu.memory_space<hbm>>) target(%arg16 : memref<128x32xf32, #tpu.memory_space<vmem>>) offsets(%dma_start3A_330 : memref<128xi32, #tpu.memory_space<vmem>>) semaphore(%arg24 : memref<!tpu.dma_semaphore, #tpu.memory_space<semaphore_mem>>)
      } else {
      }
      %mul3A_309 = arith.constant 8 : i32
      %mul3A_310 = arith.muli %scan3A_65, %mul3A_309 : i32
      %add3A_311 = arith.constant 7 : i32
      %add3A_312 = arith.addi %mul3A_310, %add3A_311 : i32
      %dma_wait3A_313 = arith.constant 0 : i32
      %dma_wait3A_314 = tpu.memref_slice %arg9[%add3A_312, %dma_wait3A_313] : memref<200x128xi32, #tpu.memory_space<vmem>> -> memref<1x128xi32, #tpu.memory_space<vmem>>
      %dma_wait3A_315 = tpu.memref_squeeze %dma_wait3A_314 : memref<1x128xi32, #tpu.memory_space<vmem>> -> memref<128xi32, #tpu.memory_space<vmem>>
      %dma_wait3A_316 = arith.constant 0 : i32
      %dma_wait3A_317 = arith.constant 0 : i32
      %dma_wait3A_318 = tpu.memref_slice %arg7[%dma_wait3A_316, %dma_wait3A_317] : memref<4096x32xf32, #tpu.memory_space<vmem_shared>> -> memref<4096x32xf32, #tpu.memory_space<vmem_shared>>
      tpu.wait_indirect_dma semaphore(%arg33 : memref<!tpu.dma_semaphore, #tpu.memory_space<semaphore_mem>>) src(%arg17 : memref<128x32xf32, #tpu.memory_space<vmem>>) dst(%dma_wait3A_318 : memref<4096x32xf32, #tpu.memory_space<vmem_shared>>)
      %add3A_319 = arith.constant 8 : i32
      %add3A_320 = arith.addi %add3A_312, %add3A_319 : i32
      %lt3A_321 = arith.constant 200 : i32
      %lt3A_322 = arith.cmpi slt, %add3A_320, %lt3A_321 : i32
      %convert_element_type3A_323 = arith.extui %lt3A_322 : i1 to i32
      %cond3A_324 = arith.constant 0 : i32
      %cond3A_325 = arith.cmpi ne, %convert_element_type3A_323, %cond3A_324 : i32
      scf.if %cond3A_325 {
        %add3A_326 = arith.constant 8 : i32
        %add3A_327 = arith.addi %add3A_312, %add3A_326 : i32
        %dma_start3A_328 = arith.constant 0 : i32
        %dma_start3A_329 = tpu.memref_slice %arg8[%add3A_327, %dma_start3A_328] : memref<200x128xi32, #tpu.memory_space<vmem>> -> memref<1x128xi32, #tpu.memory_space<vmem>>
        %dma_start3A_330 = tpu.memref_squeeze %dma_start3A_329 : memref<1x128xi32, #tpu.memory_space<vmem>> -> memref<128xi32, #tpu.memory_space<vmem>>
        %dma_start3A_331 = arith.constant 0 : i32
        %dma_start3A_332 = arith.constant 0 : i32
        %dma_start3A_333 = tpu.memref_slice %arg2[%dma_start3A_331, %dma_start3A_332] : memref<1000000x32xf32, #tpu.memory_space<hbm>> -> memref<1000000x32xf32, #tpu.memory_space<hbm>>
        tpu.enqueue_indirect_dma source(%dma_start3A_333 : memref<1000000x32xf32, #tpu.memory_space<hbm>>) target(%arg17 : memref<128x32xf32, #tpu.memory_space<vmem>>) offsets(%dma_start3A_330 : memref<128xi32, #tpu.memory_space<vmem>>) semaphore(%arg25 : memref<!tpu.dma_semaphore, #tpu.memory_space<semaphore_mem>>)
      } else {
      }
    }
    %scan3A_64 = arith.constant 25 : i32
    "tpu.region"() ({
      %run_scoped3A = tpu.sem_alloc : memref<!tpu.dma_semaphore, #tpu.memory_space<semaphore_mem>>
      %dma_start3A_65 = arith.constant 0 : i32
      %dma_start3A_66 = tpu.memref_slice %arg6[%mul3A_2, %dma_start3A_65] : memref<4096x32xf32, #tpu.memory_space<hbm>> -> memref<128x32xf32, #tpu.memory_space<hbm>>
      %dma_start3A_67 = arith.constant 0 : i32
      %dma_start3A_68 = tpu.memref_slice %arg7[%mul3A_2, %dma_start3A_67] : memref<4096x32xf32, #tpu.memory_space<vmem_shared>> -> memref<128x32xf32, #tpu.memory_space<vmem_shared>>
      tpu.enqueue_dma source(%dma_start3A_68 : memref<128x32xf32, #tpu.memory_space<vmem_shared>>) target(%dma_start3A_66 : memref<128x32xf32, #tpu.memory_space<hbm>>) target_semaphore(%run_scoped3A : memref<!tpu.dma_semaphore, #tpu.memory_space<semaphore_mem>>)
      %dma_wait3A = arith.constant 0 : i32
      %dma_wait3A_69 = tpu.memref_slice %arg6[%mul3A_2, %dma_wait3A] : memref<4096x32xf32, #tpu.memory_space<hbm>> -> memref<128x32xf32, #tpu.memory_space<hbm>>
      %dma_wait3A_70 = arith.constant 0 : i32
      %dma_wait3A_71 = tpu.memref_slice %arg7[%mul3A_2, %dma_wait3A_70] : memref<4096x32xf32, #tpu.memory_space<vmem_shared>> -> memref<128x32xf32, #tpu.memory_space<vmem_shared>>
      tpu.wait_dma2 semaphore(%run_scoped3A : memref<!tpu.dma_semaphore, #tpu.memory_space<semaphore_mem>>) src(%dma_wait3A_71 : memref<128x32xf32, #tpu.memory_space<vmem_shared>>) dst(%dma_wait3A_69 : memref<128x32xf32, #tpu.memory_space<hbm>>)
      tpu.yield
    }) : () -> ()
    return
  }
}

module attributes {stable_mosaic.version = 14 : i64} {
  func.func @_mlp_body(%arg0: memref<4096x32xf32, #tpu.memory_space<vmem>>, %arg1: memref<32x64xf32, #tpu.memory_space<vmem>>, %arg2: memref<1x64xf32, #tpu.memory_space<vmem>>, %arg3: memref<64x128xf32, #tpu.memory_space<vmem>>, %arg4: memref<1x128xf32, #tpu.memory_space<vmem>>, %arg5: memref<4096x128xf32, #tpu.memory_space<vmem>>) attributes {dimension_semantics = [], scalar_prefetch = 0 : i64, scratch_operands = 0 : i64, tpu.core_type = #tpu.core_type<tc>} {
    %get3A = arith.constant 0 : index
    %get3A_0 = arith.constant 0 : index
    %get3A_1 = vector.load %arg0[%get3A, %get3A_0] : memref<4096x32xf32, #tpu.memory_space<vmem>>, vector<4096x32xf32>
    %get3A_2 = arith.constant 0 : index
    %get3A_3 = arith.constant 0 : index
    %get3A_4 = vector.load %arg1[%get3A_2, %get3A_3] : memref<32x64xf32, #tpu.memory_space<vmem>>, vector<32x64xf32>
    %dot_general3A = arith.constant dense<0.000000e+00> : vector<4096x64xf32>
    %dot_general3A_5 = tpu.matmul %get3A_1, %get3A_4, %dot_general3A {dimension_numbers = #tpu.dot_dimension_numbers<[1], [0], [0], [1], [0, 0, 1, 1], [], []>, transpose_lhs_hint = false} : vector<4096x32xf32>, vector<32x64xf32>, vector<4096x64xf32> -> vector<4096x64xf32>
    %get3A_6 = arith.constant 0 : index
    %get3A_7 = arith.constant 0 : index
    %get3A_8 = vector.load %arg2[%get3A_6, %get3A_7] : memref<1x64xf32, #tpu.memory_space<vmem>>, vector<1x64xf32>
    %add3A = vector.broadcast %get3A_8 : vector<1x64xf32> to vector<4096x64xf32>
    %add3A_9 = arith.addf %dot_general3A_5, %add3A : vector<4096x64xf32>
    %max3A = arith.constant 0.000000e+00 : f32
    %max3A_10 = vector.broadcast %max3A : f32 to vector<4096x64xf32>
    %max3A_11 = arith.maximumf %add3A_9, %max3A_10 : vector<4096x64xf32>
    %get3A_12 = arith.constant 0 : index
    %get3A_13 = arith.constant 0 : index
    %get3A_14 = vector.load %arg3[%get3A_12, %get3A_13] : memref<64x128xf32, #tpu.memory_space<vmem>>, vector<64x128xf32>
    %dot_general3A_15 = arith.constant dense<0.000000e+00> : vector<4096x128xf32>
    %dot_general3A_16 = tpu.matmul %max3A_11, %get3A_14, %dot_general3A_15 {dimension_numbers = #tpu.dot_dimension_numbers<[1], [0], [0], [1], [0, 0, 1, 1], [], []>, transpose_lhs_hint = false} : vector<4096x64xf32>, vector<64x128xf32>, vector<4096x128xf32> -> vector<4096x128xf32>
    %get3A_17 = arith.constant 0 : index
    %get3A_18 = arith.constant 0 : index
    %get3A_19 = vector.load %arg4[%get3A_17, %get3A_18] : memref<1x128xf32, #tpu.memory_space<vmem>>, vector<1x128xf32>
    %add3A_20 = vector.broadcast %get3A_19 : vector<1x128xf32> to vector<4096x128xf32>
    %add3A_21 = arith.addf %dot_general3A_16, %add3A_20 : vector<4096x128xf32>
    %swap3A = arith.constant 0 : index
    %swap3A_22 = arith.constant 0 : index
    %swap3A_23 = vector.load %arg5[%swap3A, %swap3A_22] : memref<4096x128xf32, #tpu.memory_space<vmem>>, vector<4096x128xf32>
    tpu.vector_store %arg5[%swap3A, %swap3A_22], %add3A_21 {strides = array<i32>} : memref<4096x128xf32, #tpu.memory_space<vmem>>, vector<4096x128xf32>,
    return
  }
}

</mosaic_0001>

<sc_bundles>
// kernel: kernel.4.cloned.1.call-start
scs
__scs_entry_jumppad:
0x0: {  	(pc) =	sbr.rel $0x88, $3  }
0x1: {  	(tag) =	ssettag $0x0;
	lr =	simm.s32 $0x1  }
0x2: {  	[smem:$0x3F9B] =	sst lr;
	_ =	strace $0xD0000000  }
0x3: {  	_ = 	snop  }
0x4: {  	_ = 	snop  }
0x5: {  	_ = 	snop  }
0x6: {  	_ = 	snop  }
0x7: {  	_ = 	snop  }
__scs_overlays_trampoline_lowered:
0x8: {  	[smem:$0x3FAA] =	sst s0  }
0x9: {  	[smem:$0x3FAB] =	sst s1  }
0xa: {  	[smem:$0x3FAC] =	sst s2  }
0xb: {  	[smem:$0x3FAD] =	sst s3  }
0xc: {  	[smem:$0x3FAE] =	sst s4  }
0xd: {  	[smem:$0x3FAF] =	sst s5  }
0xe: {  	[smem:$0x3FB0] =	sst s6  }
0xf: {  	[smem:$0x3FB1] =	sst s7  }
0x10: {  	[smem:$0x3FB2] =	sst s8  }
0x11: {  	[smem:$0x3FB3] =	sst s9;
	s0 =	simm.s32 @!p0 $0x0  }
0x12: {  	s1 =	sld [smem:$0x3F99];
	s0 =	simm.s32 @p0 $0x1  }
0x13: {  	[smem:$0x3FB4] =	sst s0;
	s0 =	simm.s32 @!p1 $0x0  }
0x14: {  	s2 =	sld [smem:$0x3F98];
	s0 =	simm.s32 @p1 $0x1  }
0x15: {  	[smem:$0x3FB5] =	sst s0;
	s0 =	simm.s32 @!p2 $0x0  }
0x16: {  	s3 =	sld [smem:$0x3FDB];
	s0 =	simm.s32 @p2 $0x1  }
0x17: {  	s4 =	simm.s32 $0x1BF5;
	[smem:$0x3FB7] =	sst s0  }
0x18: {  	s0 =	sld [smem:$0x3F9A];
	_ =	swait.ge [sflag:s4], $0x0  }
0x19: {  	s7 =	sld [smem:$0x3F9B]  }
0x1a: {  	s8 =	sadd.s32 $0xFFFFE003, lr  }
0x1b: {  	s9 =	sadd.s32 $0xFFFFFEF7, lr;
	s5 =	simm.s32 $0xFFFFFFFF;
	p2 =	slt.u32 s8, $0xFFFFF086  }
0x1c: {  	p1 =	slt.u32 s9, $0xF7A;
	s5 =	simm.s32 @!p2 $0x0  }
0x1d: {  	s5 =	simm.s32 @p1 $0x1;
	p0 =	seq.s32 s7, s2  }
0x1e: {  	s7 =	smul.u32 @!p0 $0xF7A, s2;
	p2 =	seq.s32 @!p0 s5, $0x0  }
0x1f: {  	s9 =	smul.u32 $0xF7A, s1;
	s8 =	simm.s32 @!p0 $0x1BF5;
	p2 =	por !p2, p0  }
0x20: {  	[sflag:s8] =	ssyncset.s32 @!p0 $0xFFFFF086;
	s6 =	sadd.s32 @!p0 s3, s7;
	s7 =	simm.s32 @!p0 $0x108  }
0x21: {  	s3 =	sadd.s32 s3, s9;
	s6 =	sadd.s32 @!p0 $0x88, s6;
	s7 =	simm.s32 @p2 $0x1082  }
0x22: {  	[simem:s7], [sflag:s8] =	dma.local @!p0 [hbm:s6], $0xF7A  }
0x23: {  	s9 =	sor.u32 $0xD0000000, s2;
	s6 =	simm.s32 $0x108;
	_ =	swait.ge @!p0 [sflag:s8], $0x0  }
0x24: {  	s3 =	sadd.s32 $0x88, s3;
	s6 =	simm.s32 @!p1 $0x1082;
	[sflag:s4] =	ssyncset.s32 $0xFFFFF086  }
0x25: {  	[simem:s6], [sflag:s4] =	dma.local [hbm:s3], $0xF7A  }
0x26: {  	[smem:$0x3F9B] =	sst s1;
	(tag) =	ssettag s2;
	_ =	strace s9  }
0x27: {  	s1 =	sld [smem:$0x3FAB]  }
0x28: {  	s2 =	sld [smem:$0x3FAC]  }
0x29: {  	s4 =	sld [smem:$0x3FAE]  }
0x2a: {  	p0 =	seq.s32 s5, $0x0;
	s5 =	sld [smem:$0x3FAF]  }
0x2b: {  	s6 =	sld [smem:$0x3FB0]  }
0x2c: {  	s7 =	sld [smem:$0x3FB1]  }
0x2d: {  	s3 =	simm.s32 $0x108;
	s8 =	sld [smem:$0x3FB2]  }
0x2e: {  	s3 =	simm.s32 @!p0 $0x1082;
	s9 =	sld [smem:$0x3FB3]  }
0x2f: {  	lr =	sadd.s32 s0, s3;
	s0 =	sld [smem:$0x3FAA]  }
0x30: {  	s3 =	sld [smem:$0x3FAD]  }
0x31: {  	[smem:$0x3FB6] =	sst s10  }
0x32: {  	s10 =	sld [smem:$0x3FB4];
	_ =	sdelay $0x3  }
0x33: {  	p0 =	seq.s32 s10, $0x1;
	s10 =	sld [smem:$0x3FB6];
	_ =	sdelay $0x3  }
0x34: {  	[smem:$0x3FB6] =	sst s10  }
0x35: {  	s10 =	sld [smem:$0x3FB5];
	_ =	sdelay $0x3  }
0x36: {  	p1 =	seq.s32 s10, $0x1;
	s10 =	sld [smem:$0x3FB6];
	_ =	sdelay $0x3  }
0x37: {  	[smem:$0x3FB6] =	sst s10  }
0x38: {  	s10 =	sld [smem:$0x3FB7]  }
0x39: {  	_ = 	snop;
	(pc) =	sbr.ind lr, $3  }
0x3a: {  	_ = 	snop  }
0x3b: {  	_ = 	snop  }
0x3c: {  	p2 =	seq.s32 s10, $0x1;
	s10 =	sld [smem:$0x3FB6]  }
0x3d: {  	_ =	shalt  }
0x3e: {  	_ =	shalt  }
0x3f: {  	_ =	shalt  }
0x40: {  	_ =	shalt  }
0x41: {  	_ =	shalt  }
0x42: {  	_ =	shalt  }
0x43: {  	_ =	shalt  }
0x44: {  	_ =	shalt  }
0x45: {  	_ =	shalt  }
0x46: {  	_ =	shalt  }
0x47: {  	_ =	shalt  }
0x48: {  	_ =	shalt  }
0x49: {  	_ =	shalt  }
0x4a: {  	_ =	shalt  }
0x4b: {  	_ =	shalt  }
0x4c: {  	_ =	shalt  }
0x4d: {  	_ =	shalt  }
0x4e: {  	_ =	shalt  }
0x4f: {  	_ =	shalt  }
0x50: {  	_ =	shalt  }
0x51: {  	_ =	shalt  }
0x52: {  	_ =	shalt  }
0x53: {  	_ =	shalt  }
0x54: {  	_ =	shalt  }
0x55: {  	_ =	shalt  }
0x56: {  	_ =	shalt  }
0x57: {  	_ =	shalt  }
0x58: {  	_ =	shalt  }
0x59: {  	_ =	shalt  }
0x5a: {  	_ =	shalt  }
0x5b: {  	_ =	shalt  }
0x5c: {  	_ =	shalt  }
0x5d: {  	_ =	shalt  }
0x5e: {  	_ =	shalt  }
0x5f: {  	_ =	shalt  }
0x60: {  	_ =	shalt  }
0x61: {  	_ =	shalt  }
0x62: {  	_ =	shalt  }
0x63: {  	_ =	shalt  }
0x64: {  	_ =	shalt  }
0x65: {  	_ =	shalt  }
0x66: {  	_ =	shalt  }
0x67: {  	_ =	shalt  }
0x68: {  	_ =	shalt  }
0x69: {  	_ =	shalt  }
0x6a: {  	_ =	shalt  }
0x6b: {  	_ =	shalt  }
0x6c: {  	_ =	shalt  }
0x6d: {  	_ =	shalt  }
0x6e: {  	_ =	shalt  }
0x6f: {  	_ =	shalt  }
0x70: {  	_ =	shalt  }
0x71: {  	_ =	shalt  }
0x72: {  	_ =	shalt  }
0x73: {  	_ =	shalt  }
0x74: {  	_ =	shalt  }
0x75: {  	_ =	shalt  }
0x76: {  	_ =	shalt  }
0x77: {  	_ =	shalt  }
0x78: {  	_ =	shalt  }
0x79: {  	_ =	shalt  }
0x7a: {  	_ =	shalt  }
0x7b: {  	_ =	shalt  }
0x7c: {  	_ =	shalt  }
0x7d: {  	_ =	shalt  }
0x7e: {  	_ =	shalt  }
0x7f: {  	_ =	shalt  }
0x80: {  	_ =	shalt  }
0x81: {  	_ =	shalt  }
0x82: {  	_ =	shalt  }
0x83: {  	_ =	shalt  }
0x84: {  	_ =	shalt  }
0x85: {  	_ =	shalt  }
0x86: {  	_ =	shalt  }
0x87: {  	_ =	shalt  }
.Lfunc_end0:
.L_simem_size_0:
called_computation_lowered:
.L_overlay_start_0:
0x88: {  	s2 =	sld [smem:$0x3FD9]  }
0x89: {  	s3 =	sld [smem:$0x3FFE];
	_ =	sdelay $0x1  }
0x8a: {  	s1 =	srdreg.scid  }
0x8b: {  	s0 =	sand.u32 $0x1, s1  }
0x8c: {  	s17 =	sshll.u32 s0, $0xA;
	s2 =	sadd.s32 s3, s2  }
0x8d: {  	s2 =	sadd.s32 s2, s17  }
0x8e: {  	[smem:$0x3FC2] =	sst s2  }
0x8f: {  	_ = 	snop  }
0x90: {  	s2 =	sld [smem:$0x3FD0];
	(tm) =	ssettm $0x1  }
0x91: {  	s18 =	sld [smem:$0x3FFB];
	_ =	sdelay $0x3  }
0x92: {  	_ =	strace s18  }
0x93: {  	s3 =	sld [smem:$0x3FFC];
	_ =	sdelay $0x3  }
0x94: {  	_ =	strace s3  }
0x95: {  	s3 =	sld [smem:$0x3FFD];
	_ =	sdelay $0x3  }
0x96: {  	_ =	strace s3  }
0x97: {  	_ =	strace $0x8FFFFFFF  }
0x98: {  	s19 =	sld [smem:$0x3FDB];
	_ =	sdelay $0x1  }
0x99: {  	s4 =	simm.s32 $_scs_section_size  }
0x9a: {  	s5 =	simm.s32 $_size__tile_overlayer_lowered;
	s6 =	simm.s32 $_tile_overlayer_lowered  }
0x9b: {  	s22 =	simm.s32 $0x1BFF;
	s21 =	sshll.u32 s6, $0x1;
	s3 =	sadd.s32 s4, s19  }
0x9c: {  	s7 =	simm.s32 $0x0;
	s20 =	sshll.u32 s5, $0x1;
	s5 =	sadd.s32 s21, s3  }
0x9d: {  	[timem:s7], [sflag:s22] =	dma.local [hbm:s5], s20  }
0x9e: {  	_ =	swait.ge [sflag:s22], s20  }
0x9f: {  	s4 =	ssub.s32 $0x0, s20;
	[sflag:s22] =	ssyncset.done $0x0  }
0xa0: {  	[sflag:s22] =	ssyncadd.s32 s4;
	_ =	sdelay $0x1  }
0xa1: {  	s23 =	simm.s32 $0x1B8B  }
0xa2: {  	_ =	swait.ge [sflag:s23], $0x1  }
0xa3: {  	[sflag:s23] =	ssyncset.done $0x0  }
0xa4: {  	s25 =	simm.s32 $0x1B8E;
	s24 =	sld [smem:$0x3FFE];
	[sflag:s23] =	ssyncadd.s32 $0xFFFFFFFF  }
0xa5: {  	s26 =	simm.s32 $execute0_lowered;
	[smem:$0x3FD2] =	sst s25  }
0xa6: {  	s5 =	sshll.u32 s26, $0x1;
	_ =	strace $0x80000046;
	[dreg:$0x1] =	wrdreg $0xFFFFFFFF  }
0xa7: {  	s28 =	simm.s32 $_size_execute0_lowered;
	s3 =	sadd.s32 s3, s5;
	[dreg:$0x0] =	wrdreg $0x0  }
0xa8: {  	s5 =	sshll.u32 s28, $0x1;
	[dreg:$0x2] =	wrdreg s3  }
0xa9: {  	[dreg:$0x3] =	wrdreg s5  }
0xaa: {  	[dreg:$0x4] =	wrdreg $0xC0  }
0xab: {  	_ =	task [dreg:s7], $0x5FFFF  }
0xac: {  	[dreg:$0x1] =	wrdreg $0xFFFFFFFF  }
0xad: {  	[dreg:$0x0] =	wrdreg $0x60  }
0xae: {  	[dreg:$0x2] =	wrdreg s24  }
0xaf: {  	[dreg:$0x3] =	wrdreg s2  }
0xb0: {  	[dreg:$0x4] =	wrdreg $0x0  }
0xb1: {  	[dreg:$0x5] =	wrdreg $0x9  }
0xb2: {  	_ =	task.clear_ibuf [dreg:s7], $0x6FFFF;
	_ =	strace $0x90000046  }
0xb3: {  	s29 =	simm.s32 $0x9;
	_ =	strace $0x80000048  }
0xb4: {  	_ =	swait.ge [sflag:s29], $0x1  }
0xb5: {  	[sflag:s29] =	ssyncadd.s32 $0xFFFFFFFF  }
0xb6: {  	_ =	strace $0x90000048  }
0xb7: {  	_ =	sfence  }
0xb8: {  	s30 =	sld [smem:$0x0];
	_ =	sdelay $0x2  }
0xb9: {  	s31 =	sshll.u32 s1, $0xD;
	s1 =	sshrl.u32 s1, $0x2  }
0xba: {  	s3 =	sand.u32 $0x4000, s31;
	s1 =	sadd.s32 s1, s30  }
0xbb: {  	s0 =	sor.u32 s3, s0;
	s1 =	sshll.u32 s1, $0x11  }
0xbc: {  	s0 =	sor.u32 s1, s0  }
0xbd: {  	s0 =	sadd.s32 $0x8F2B, s0  }
0xbe: {  	[sflag:s0] =	ssyncadd.remote.s32 $0x1  }
0xbf: {  	_ =	sfence.sel $0xFFFF  }
0xc0: {  	[dreg:$0x0] =	wrdreg $0xFFFFFFFF;
	(pc) =	sbr.abs _section_cstart, $3  }
0xc1: {  	[dreg:$0x1] =	wrdreg $0xFFFFFFFF  }
0xc2: {  	_ =	task.clear_ibuf [dreg:s7], $0x2FFFF;
	_ =	strace $0x9FFFFFFF  }
0xc3: {  	(tm) =	ssettm $0x7FFFFFFF  }
tec
execute0_lowered:
.L_overlay_start_1:
0x0: {  	(tag) =	ssettag $0x1  }
0x1: {  	s0 =	rddreg [dreg:$0x0]  }
0x2: {  	s2 =	rddreg [dreg:$0x2]  }
0x3: {  	s1 =	srdreg.scid;
	s5 =	simm.s32 $0x0;
	s4 =	stileid.u32  }
0x4: {  	s14 =	simm.s32 $0xE800;
	s15 =	simm.s32 $0x80;
	s17 =	simm.s32 $0xF800  }
0x5: {  	s19 =	simm.s32 $0x10800;
	s21 =	simm.s32 $0x11800;
	s23 =	simm.s32 $0x12800  }
0x6: {  	s28 =	simm.s32 $0x14800;
	s30 =	simm.s32 $0x15800;
	s31 =	simm.s32 $0x1  }
0x7: {  	s13 =	simm.s32 $0x5;
	s16 =	simm.s32 $0x6;
	s18 =	simm.s32 $0x7  }
0x8: {  	s20 =	simm.s32 $0x8;
	s22 =	simm.s32 $0x9;
	s24 =	simm.s32 $0xA  }
0x9: {  	s29 =	simm.s32 $0xC;
	s11 =	simm.s32 $0xF;
	s9 =	simm.s32 $0x10  }
0xa: {  	s10 =	simm.s32 $0x0;
	s1 =	sand.u32 $0x1, s1;
	[smem:$0x7FF] =	sst s5  }
0xb: {  	s5 =	sadd.s32 $0xF42E00, s0;
	s3 =	sshll.u32 s1, $0x4;
	s1 =	ssub.s32 $0x2, s1  }
0xc: {  	_ =	strace $0x80000047;
	s3 =	sor.u32 s4, s3;
	s7 =	sshrl.u32 s1, $0x1  }
0xd: {  	s4 =	smul.u32 $0xC80, s3;
	s6 =	sshll.u32 s3, $0x9;
	s3 =	sshll.u32 s3, $0xC  }
0xe: {  	s1 =	ssub.s32 s1, s7;
	s7 =	simm.s32 $0xE;
	s12 =	sadd.s32 s3, s2  }
0xf: {  	s26 =	smax.u32 s1, $0x1;
	s1 =	simm.s32 $0x3;
	s3 =	simm.s32 $0x4  }
.Ltmp0:
0x10: {  	s4 =	sadd.s32 s4, s0;
	[dreg:$0x8] =	wrdreg s26;
	(pc) =	sbr.rel .LBB2_1-.Ltmp0, $4  }
0x11: {  	s0 =	sadd.s32 s6, s0;
	[dreg:$0x6] =	wrdreg s12;
	s25 =	sadd.s32 $0xA00, s4  }
0x12: {  	s26 =	simm.s32 $0xB;
	s4 =	sadd.s32 $0x19A00, s4;
	[dreg:$0x4] =	wrdreg s25  }
0x13: {  	s6 =	simm.s32 $0xD;
	s0 =	sadd.s32 $0x32A00, s0;
	[dreg:$0x5] =	wrdreg s4  }
0x14: {  	[dreg:$0x7] =	wrdreg s0;
	s25 =	simm.s32 $0x13800;
	s0 =	simm.s32 $0x2  }
.LBB2_4:
0x15: {  	_ =	swait.ge [sflag:s24], $0x1000  }
0x16: {  	[sflag:s24] =	ssyncset.done $0x0  }
0x17: {  	[sflag:s24] =	ssyncadd.s32 $0xFFFFF000  }
0x18: {  	_ =	swait.ge [sflag:s26], $0x1000  }
0x19: {  	[sflag:s26] =	ssyncset.done $0x0  }
0x1a: {  	[sflag:s26] =	ssyncadd.s32 $0xFFFFF000  }
0x1b: {  	_ =	swait.ge [sflag:s29], $0x1000  }
0x1c: {  	[sflag:s29] =	ssyncset.done $0x0  }
0x1d: {  	[sflag:s29] =	ssyncadd.s32 $0xFFFFF000  }
0x1e: {  	_ =	swait.ge [sflag:s6], $0x1000  }
0x1f: {  	[sflag:s6] =	ssyncset.done $0x0  }
0x20: {  	[sflag:s6] =	ssyncadd.s32 $0xFFFFF000  }
0x21: {  	_ =	swait.ge [sflag:s7], $0x1000  }
0x22: {  	[sflag:s7] =	ssyncset.done $0x0  }
0x23: {  	[sflag:s7] =	ssyncadd.s32 $0xFFFFF000  }
0x24: {  	_ =	swait.ge [sflag:s11], $0x1000  }
0x25: {  	[sflag:s11] =	ssyncset.done $0x0  }
0x26: {  	s4 =	stileid.u32;
	[sflag:s11] =	ssyncadd.s32 $0xFFFFF000  }
0x27: {  	s4 =	sshll.u32 s4, $0x6;
	_ =	swait.ge [sflag:s9], $0x1000  }
0x28: {  	s4 =	sor.u32 $0x1C11, s4;
	[sflag:s9] =	ssyncset.done $0x0;
	s12 =	rddreg [dreg:$0x6]  }
0x29: {  	s10 =	rddreg [dreg:$0x7];
	[sflag:s9] =	ssyncadd.s32 $0xFFFFF000;
	s8 =	sshrl.u32 s12, $0x3  }
0x2a: {  	[hbm:s10], [sflag:s4] =	dma.local [spmem:s8], $0x200  }
0x2b: {  	s8 =	simm.s32 $0x11  }
0x2c: {  	_ =	swait.ge [sflag:s8], $0x200  }
0x2d: {  	s4 =	rddreg [dreg:$0x9]  }
0x2e: {  	s12 =	rddreg [dreg:$0x8];
	s10 =	sadd.s32 $0x1, s4  }
0x2f: {  	p0 =	sne.s32 s10, s12  }
.Ltmp1:
0x30: {  	_ = 	snop;
	(pc) =	sbr.rel @!p0 .LBB2_5-.Ltmp1, $3  }
0x31: {  	_ =	sdelay $0x1  }
0x32: {  	[sflag:s8] =	ssyncset.done $0x0  }
0x33: {  	[sflag:s8] =	ssyncadd.s32 $0xFFFFFE00  }
.LBB2_1:
0x34: {  	[dreg:$0x9] =	wrdreg s10  }
0x35: {  	s4 =	rddreg [dreg:$0x4]  }
0x36: {  	s8 =	simm.s32 $0x11;
	s10 =	simm.s32 $0x2000;
	s12 =	simm.s32 $0x0  }
0x37: {  	[tilespmem:s10], [sflag:$0x11] =	stream.linear.gather [hbm4b:s4+s12], $0x6400, $0x38;
	[tilespmem:$0x16800] =	vst v63  }
0x38: {  	_ =	swait.ge [sflag:s8], $0x6400  }
0x39: {  	s10 =	simm.s32 $0x8400;
	[sflag:s8] =	ssyncset.done $0x0  }
0x3a: {  	s12 =	simm.s32 $0x0;
	s4 =	rddreg [dreg:$0x5];
	[sflag:s8] =	ssyncadd.s32 $0xFFFF9C00  }
0x3b: {  	[tilespmem:s10], [sflag:$0x11] =	stream.linear.gather [hbm4b:s4+s12], $0x6400, $0x38;
	[tilespmem:$0x16800] =	vst v63  }
0x3c: {  	_ =	swait.ge [sflag:s8], $0x6400  }
0x3d: {  	[sflag:s8] =	ssyncset.done $0x0  }
0x3e: {  	[sflag:s8] =	ssyncadd.s32 $0xFFFF9C00  }
0x3f: {  	s4 =	simm.s32 $0x0;
	s12 =	rddreg [dreg:$0x1]  }
0x40: {  	[tilespmem:s14], [sflag:$0x11] =	stream.linear.gather [hbm4b:s12+s4], $0x1000, $0x38;
	[tilespmem:$0x16800] =	vst v63  }
0x41: {  	_ =	swait.ge [sflag:s8], $0x1000  }
0x42: {  	[sflag:s8] =	ssyncset.done $0x0  }
0x43: {  	s12 =	rddreg [dreg:$0x6];
	[sflag:s8] =	ssyncadd.s32 $0xFFFFF000  }
0x44: {  	[spmem:s12] =	stream.linear.scatter [tilespmem:s14], [sflag:$0x11], $0x1000, $0x38;
	[tilespmem:$0x16800] =	vst v63  }
0x45: {  	_ =	swait.ge [sflag:s8], $0x1000  }
0x46: {  	[sflag:s8] =	ssyncset.done $0x0  }
0x47: {  	s10 =	simm.s32 $0x2000;
	[sflag:s8] =	ssyncadd.s32 $0xFFFFF000  }
0x48: {  	[tilespmem:s14], [sflag:$0x1] =	stream.indirect.gather [hbm4b:s5+s15], $0x20, s10, s15, $0xb8;
	[tilespmem:$0x16800] =	vst v63  }
0x49: {  	s12 =	simm.s32 $0x2080  }
0x4a: {  	[tilespmem:s17], [sflag:$0x2] =	stream.indirect.gather [hbm4b:s5+s15], $0x20, s12, s15, $0xb8;
	[tilespmem:$0x16800] =	vst v63  }
0x4b: {  	s8 =	simm.s32 $0x2100  }
0x4c: {  	[tilespmem:s19], [sflag:$0x3] =	stream.indirect.gather [hbm4b:s5+s15], $0x20, s8, s15, $0xb8;
	[tilespmem:$0x16800] =	vst v63  }
0x4d: {  	s10 =	simm.s32 $0x2180  }
0x4e: {  	[tilespmem:s21], [sflag:$0x4] =	stream.indirect.gather [hbm4b:s5+s15], $0x20, s10, s15, $0xb8;
	[tilespmem:$0x16800] =	vst v63  }
0x4f: {  	s12 =	simm.s32 $0x2200  }
0x50: {  	[tilespmem:s23], [sflag:$0x5] =	stream.indirect.gather [hbm4b:s5+s15], $0x20, s12, s15, $0xb8;
	[tilespmem:$0x16800] =	vst v63  }
0x51: {  	s8 =	simm.s32 $0x2280  }
0x52: {  	[tilespmem:s25], [sflag:$0x6] =	stream.indirect.gather [hbm4b:s5+s15], $0x20, s8, s15, $0xb8;
	[tilespmem:$0x16800] =	vst v63  }
0x53: {  	s10 =	simm.s32 $0x2300  }
0x54: {  	[tilespmem:s28], [sflag:$0x7] =	stream.indirect.gather [hbm4b:s5+s15], $0x20, s10, s15, $0xb8;
	[tilespmem:$0x16800] =	vst v63  }
0x55: {  	s4 =	simm.s32 $0x0;
	s12 =	simm.s32 $0x2380  }
0x56: {  	[tilespmem:s30], [sflag:$0x8] =	stream.indirect.gather [hbm4b:s5+s15], $0x20, s12, s15, $0xb8;
	[tilespmem:$0x16800] =	vst v63  }
.LBB2_2:
0x57: {  	_ =	swait.ge [sflag:s31], $0x1000  }
0x58: {  	s8 =	sshra.s32 s4, $0x2;
	[sflag:s31] =	ssyncset.done $0x0  }
0x59: {  	s12 =	sadd.s32 $0x8400, s8;
	[sflag:s31] =	ssyncadd.s32 $0xFFFFF000  }
0x5a: {  	[spmem:s2] =	stream.indirect.scatter.add.f32 [tilespmem:s14], [sflag:$0x9], $0x20, s12, s15, $0xb8;
	[tilespmem:$0x16800] =	vst v63  }
0x5b: {  	_ =	swait.ge [sflag:s0], $0x1000  }
0x5c: {  	[sflag:s0] =	ssyncset.done $0x0  }
0x5d: {  	s10 =	sadd.s32 $0x8480, s8;
	[sflag:s0] =	ssyncadd.s32 $0xFFFFF000  }
0x5e: {  	[spmem:s2] =	stream.indirect.scatter.add.f32 [tilespmem:s17], [sflag:$0xA], $0x20, s10, s15, $0xb8;
	[tilespmem:$0x16800] =	vst v63  }
0x5f: {  	_ =	swait.ge [sflag:s1], $0x1000  }
0x60: {  	[sflag:s1] =	ssyncset.done $0x0  }
0x61: {  	s10 =	sadd.s32 $0x8500, s8;
	[sflag:s1] =	ssyncadd.s32 $0xFFFFF000  }
0x62: {  	[spmem:s2] =	stream.indirect.scatter.add.f32 [tilespmem:s19], [sflag:$0xB], $0x20, s10, s15, $0xb8;
	[tilespmem:$0x16800] =	vst v63  }
0x63: {  	_ =	swait.ge [sflag:s3], $0x1000  }
0x64: {  	[sflag:s3] =	ssyncset.done $0x0  }
0x65: {  	s10 =	sadd.s32 $0x8580, s8;
	[sflag:s3] =	ssyncadd.s32 $0xFFFFF000  }
0x66: {  	[spmem:s2] =	stream.indirect.scatter.add.f32 [tilespmem:s21], [sflag:$0xC], $0x20, s10, s15, $0xb8;
	[tilespmem:$0x16800] =	vst v63  }
0x67: {  	_ =	swait.ge [sflag:s13], $0x1000  }
0x68: {  	[sflag:s13] =	ssyncset.done $0x0  }
0x69: {  	s10 =	sadd.s32 $0x8600, s8;
	[sflag:s13] =	ssyncadd.s32 $0xFFFFF000  }
0x6a: {  	[spmem:s2] =	stream.indirect.scatter.add.f32 [tilespmem:s23], [sflag:$0xD], $0x20, s10, s15, $0xb8;
	[tilespmem:$0x16800] =	vst v63  }
0x6b: {  	_ =	swait.ge [sflag:s16], $0x1000  }
0x6c: {  	[sflag:s16] =	ssyncset.done $0x0  }
0x6d: {  	s10 =	sadd.s32 $0x8680, s8;
	[sflag:s16] =	ssyncadd.s32 $0xFFFFF000  }
0x6e: {  	[spmem:s2] =	stream.indirect.scatter.add.f32 [tilespmem:s25], [sflag:$0xE], $0x20, s10, s15, $0xb8;
	[tilespmem:$0x16800] =	vst v63  }
0x6f: {  	_ =	swait.ge [sflag:s18], $0x1000  }
0x70: {  	[sflag:s18] =	ssyncset.done $0x0  }
0x71: {  	s10 =	sadd.s32 $0x8700, s8;
	[sflag:s18] =	ssyncadd.s32 $0xFFFFF000  }
0x72: {  	[spmem:s2] =	stream.indirect.scatter.add.f32 [tilespmem:s28], [sflag:$0xF], $0x20, s10, s15, $0xb8;
	[tilespmem:$0x16800] =	vst v63  }
0x73: {  	_ =	swait.ge [sflag:s20], $0x1000  }
0x74: {  	p0 =	seq.s32 s4, $0x18000;
	[sflag:s20] =	ssyncset.done $0x0  }
.Ltmp2:
0x75: {  	s10 =	sadd.s32 $0x8780, s8;
	[sflag:s20] =	ssyncadd.s32 $0xFFFFF000;
	(pc) =	sbr.rel @p0 .LBB2_4-.Ltmp2, $4  }
0x76: {  	[spmem:s2] =	stream.indirect.scatter.add.f32 [tilespmem:s30], [sflag:$0x10], $0x20, s10, s15, $0xb8;
	[tilespmem:$0x16800] =	vst v63  }
0x77: {  	_ =	swait.ge [sflag:s22], $0x1000  }
0x78: {  	[sflag:s22] =	ssyncset.done $0x0  }
0x79: {  	[sflag:s22] =	ssyncadd.s32 $0xFFFFF000  }
0x7a: {  	s12 =	sadd.s32 $0x2400, s8  }
0x7b: {  	[tilespmem:s14], [sflag:$0x1] =	stream.indirect.gather [hbm4b:s5+s15], $0x20, s12, s15, $0xb8;
	[tilespmem:$0x16800] =	vst v63  }
0x7c: {  	_ =	swait.ge [sflag:s24], $0x1000  }
0x7d: {  	[sflag:s24] =	ssyncset.done $0x0  }
0x7e: {  	s10 =	sadd.s32 $0x2480, s8;
	[sflag:s24] =	ssyncadd.s32 $0xFFFFF000  }
0x7f: {  	[tilespmem:s17], [sflag:$0x2] =	stream.indirect.gather [hbm4b:s5+s15], $0x20, s10, s15, $0xb8;
	[tilespmem:$0x16800] =	vst v63  }
0x80: {  	_ =	swait.ge [sflag:s26], $0x1000  }
0x81: {  	[sflag:s26] =	ssyncset.done $0x0  }
0x82: {  	s10 =	sadd.s32 $0x2500, s8;
	[sflag:s26] =	ssyncadd.s32 $0xFFFFF000  }
0x83: {  	[tilespmem:s19], [sflag:$0x3] =	stream.indirect.gather [hbm4b:s5+s15], $0x20, s10, s15, $0xb8;
	[tilespmem:$0x16800] =	vst v63  }
0x84: {  	_ =	swait.ge [sflag:s29], $0x1000  }
0x85: {  	[sflag:s29] =	ssyncset.done $0x0  }
0x86: {  	s10 =	sadd.s32 $0x2580, s8;
	[sflag:s29] =	ssyncadd.s32 $0xFFFFF000  }
0x87: {  	[tilespmem:s21], [sflag:$0x4] =	stream.indirect.gather [hbm4b:s5+s15], $0x20, s10, s15, $0xb8;
	[tilespmem:$0x16800] =	vst v63  }
0x88: {  	_ =	swait.ge [sflag:s6], $0x1000  }
0x89: {  	[sflag:s6] =	ssyncset.done $0x0  }
0x8a: {  	s10 =	sadd.s32 $0x2600, s8;
	[sflag:s6] =	ssyncadd.s32 $0xFFFFF000  }
0x8b: {  	[tilespmem:s23], [sflag:$0x5] =	stream.indirect.gather [hbm4b:s5+s15], $0x20, s10, s15, $0xb8;
	[tilespmem:$0x16800] =	vst v63  }
0x8c: {  	_ =	swait.ge [sflag:s7], $0x1000  }
0x8d: {  	[sflag:s7] =	ssyncset.done $0x0  }
0x8e: {  	s10 =	sadd.s32 $0x2680, s8;
	[sflag:s7] =	ssyncadd.s32 $0xFFFFF000  }
0x8f: {  	[tilespmem:s25], [sflag:$0x6] =	stream.indirect.gather [hbm4b:s5+s15], $0x20, s10, s15, $0xb8;
	[tilespmem:$0x16800] =	vst v63  }
0x90: {  	_ =	swait.ge [sflag:s11], $0x1000  }
0x91: {  	[sflag:s11] =	ssyncset.done $0x0  }
0x92: {  	s10 =	sadd.s32 $0x2700, s8;
	[sflag:s11] =	ssyncadd.s32 $0xFFFFF000  }
0x93: {  	[tilespmem:s28], [sflag:$0x7] =	stream.indirect.gather [hbm4b:s5+s15], $0x20, s10, s15, $0xb8;
	[tilespmem:$0x16800] =	vst v63  }
.Ltmp3:
0x94: {  	_ = 	snop;
	(pc) =	sbr.rel .LBB2_2-.Ltmp3, $4  }
0x95: {  	_ =	swait.ge [sflag:s9], $0x1000  }
0x96: {  	[sflag:s9] =	ssyncset.done $0x0  }
0x97: {  	s4 =	sadd.s32 $0x1000, s4;
	s12 =	sadd.s32 $0x2780, s8;
	[sflag:s9] =	ssyncadd.s32 $0xFFFFF000  }
0x98: {  	[tilespmem:s30], [sflag:$0x8] =	stream.indirect.gather [hbm4b:s5+s15], $0x20, s12, s15, $0xb8;
	[tilespmem:$0x16800] =	vst v63  }
.LBB2_5:
0x99: {  	_ =	sfence.sel $0x180000  }
0x9a: {  	[bflag:$0x0] =	sbarrier.arrive $0xFFFF  }
0x9b: {  	_ =	strace $0x90000047  }
0x9c: {  	s0 =	stileid.u32;
	[bflag:$0x2] =	sbarrier.arrive $0xFFFF  }
0x9d: {  	p0 =	sne.s32 s0, $0x0;
	s0 =	rddreg [dreg:$0x3]  }
0x9e: {  	s0 =	sadd.s32 @!p0 $0x100000, s0  }
0x9f: {  	[sflag:s0] =	ssyncadd.tile.s32 @!p0 $0x1;
	_ =	shalt  }
.Lfunc_end2:
_tile_overlayer_lowered:
.L_overlay_start_2:
0xa0: {  	(tag) =	ssettag $0x2  }
0xa1: {  	s0 =	rddreg [dreg:$0x0];
	s2 =	stileid.u32  }
0xa2: {  	s1 =	rddreg [dreg:$0x1];
	p0 =	sne.s32 s2, $0x0  }
0xa3: {  	s3 =	rddreg [dreg:$0x2];
	[bflag:$0x3] =	sbarrier.arrive $0xFFFF;
	s2 =	simm.s32 @!p0 $0x1C11  }
0xa4: {  	[timem:s3], [sflag:s2] =	dma.local @!p0 [hbm:s0], s1  }
0xa5: {  	s0 =	simm.s32 @!p0 $0x11  }
0xa6: {  	_ =	swait.ge @!p0 [sflag:s0], s1  }
0xa7: {  	s1 =	ssub.s32 @!p0 $0x0, s1;
	[sflag:s0] =	ssyncset.done @!p0 $0x0  }
0xa8: {  	[sflag:s0] =	ssyncadd.s32 @!p0 s1  }
0xa9: {  	[bflag:$0x3] =	sbarrier.arrive $0xFFFF  }
0xaa: {  	_ =	shalt  }

</sc_bundles>
